<compile_context>
chip_gen: v7x
topology: tpu7x:2x2x1
jax: 0.10.2.dev20260603
libtpu: 0.0.44.dev20260713+nightly
codegen_flags: <defaults>
</compile_context>

<pallas_src>
import functools

import jax
import jax.numpy as jnp
from jax import lax
from jax.experimental import pallas as pl
from jax.experimental.pallas import tpu as pltpu
from jax.experimental.pallas import tpu_sc as plsc

SEQ_LEN, BATCH, DIM = 200, 4096, 64
VOCAB = 1000000
B_TOTAL = SEQ_LEN * BATCH
OUT_PITCH = 128
NUM_CORES = 2
NUM_SUBCORES = 16
NUM_WORKERS = NUM_CORES * NUM_SUBCORES
STRIPE = BATCH // NUM_WORKERS
NBUF = 4
DEPTH = 3
assert SEQ_LEN % NBUF == 0


def _make_gather():
    mesh = plsc.VectorSubcoreMesh(core_axis_name="c", subcore_axis_name="s")

    @functools.partial(
        pl.kernel,
        mesh=mesh,
        compiler_params=pltpu.CompilerParams(use_tc_tiling_on_sc=False),
        out_type=jax.ShapeDtypeStruct((B_TOTAL, OUT_PITCH), jnp.float32),
        scratch_types=[
            pltpu.VMEM((SEQ_LEN, STRIPE), jnp.int32),
            pltpu.VMEM((NBUF, STRIPE, DIM), jnp.float32),
            pltpu.SemaphoreType.DMA((NBUF,)),
            pltpu.SemaphoreType.DMA((NBUF,)),
        ],
    )
    def gather_kernel(idx_hbm, table_hbm, out_hbm, idx_v, rows_v, gsem, ssem):
        wid = lax.axis_index("s") * NUM_CORES + lax.axis_index("c")
        col0 = wid * STRIPE

        pltpu.sync_copy(idx_hbm.at[:, pl.ds(col0, STRIPE)], idx_v)

        def start_gather(s, b):
            pltpu.async_copy(
                table_hbm.at[idx_v.at[s]], rows_v.at[b], gsem.at[b]
            )

        def wait_gather(b):
            pltpu.make_async_copy(
                table_hbm.at[idx_v.at[0]], rows_v.at[b], gsem.at[b]
            ).wait()

        def start_store(s, b):
            pltpu.async_copy(
                rows_v.at[b],
                out_hbm.at[pl.ds(s * BATCH + col0, STRIPE), pl.ds(0, DIM)],
                ssem.at[b],
            )

        def wait_store(b):
            pltpu.make_async_copy(
                rows_v.at[b],
                out_hbm.at[pl.ds(col0, STRIPE), pl.ds(0, DIM)],
                ssem.at[b],
            ).wait()

        for d in range(DEPTH):
            start_gather(d, d)

        def body(i, carry):
            g = i * NBUF
            for b in range(NBUF):
                s = g + b
                nb = (b + DEPTH) % NBUF

                @pl.when(s + DEPTH < SEQ_LEN)
                def _(s=s, nb=nb):
                    @pl.when(s + DEPTH >= NBUF)
                    def _():
                        wait_store(nb)
                    start_gather(s + DEPTH, nb)

                wait_gather(b)
                start_store(s, b)
            return carry

        lax.fori_loop(0, SEQ_LEN // NBUF, body, 0)
        for d in range(min(NBUF, SEQ_LEN)):
            wait_store((SEQ_LEN - 1 - d) % NBUF)

    return gather_kernel


_gather = _make_gather()


def kernel(input, word_table):
    out = _gather(input[:, :, 0], word_table)
    return out[:, :DIM].reshape(SEQ_LEN, BATCH, DIM)

# --- scband reference (transcript-rebuilt; emitter-appended) ---
"""Pipeline reference for scband-embeddings-41970420417304 (READ-ONLY COPY).

The authoritative reference and input builder live on the scoring server;
editing this copy changes nothing except your own understanding.
"""

import jax, jax.numpy as jnp
import numpy as np

WORD_VOCAB = 1000000
DIM = 64
PAD = 1
SEQ_LEN = 200
BATCH = 4096


def setup_inputs(seed: int = 0) -> dict:
    key = jax.random.key(seed)
    k1, k2 = jax.random.split(key)
    # index tensor [len x batch x nfeat] with nfeat=1 (word ids only)
    inp = jax.random.randint(k1, (SEQ_LEN, BATCH, 1), 0, WORD_VOCAB, dtype=jnp.int64 if jax.config.jax_enable_x64 else jnp.int32)
    inp = inp.astype(jnp.int32)
    # word embedding table; padding_idx row initialized to zero as in nn.Embedding
    table = jax.random.normal(k2, (WORD_VOCAB, DIM), dtype=jnp.float32)
    table = table.at[PAD].set(0.0)
    return {"input": inp, "word_table": table}


def reference(input, word_table):
    # Elementwise splits the last dim; with a single word feature this is just
    # a single embedding lookup, and feat_merge='concat' of one output is identity.
    idx = input[:, :, 0]
    emb = jnp.take(word_table, idx, axis=0)  # [len, batch, dim]
    # dropout=0 and position_encoding=False -> emb is the module output
    return emb

if __name__ == "__main__":
    import jax
    _d = setup_inputs()
    print(jax.jit(kernel)(*tuple(_d.values())))

</pallas_src>

<mosaic_0001>
#map = affine_map<(d0, d1) -> (0, 0)>
module attributes {stable_mosaic.version = 14 : i64} {
  func.func @gather_kernel(%arg0: i32, %arg1: i32, %arg2: memref<200x4096xi32, #tpu.memory_space<hbm>>, %arg3: memref<1000000x64xf32, #tpu.memory_space<hbm>>, %arg4: memref<819200x128xf32, #tpu.memory_space<hbm>>, %arg5: memref<200x128xi32, #tpu.memory_space<vmem>>, %arg6: memref<4x128x64xf32, #tpu.memory_space<vmem>>, %arg7: memref<4x!tpu.dma_semaphore, #tpu.memory_space<semaphore_mem>>, %arg8: memref<4x!tpu.dma_semaphore, #tpu.memory_space<semaphore_mem>>) attributes {dimension_semantics = [#tpu.dimension_semantics<core_parallel>, #tpu.dimension_semantics<subcore_parallel>], iteration_bounds = array<i64: 2, 16>, scalar_prefetch = 0 : i64, scratch_operands = 4 : i64, tpu.core_type = #tpu.core_type<sc_vector_subcore>, window_params = [{transform_indices = #map}, {transform_indices = #map}, {transform_indices = #map}]} {
    %mul3A = arith.constant 2 : i32
    %mul3A_0 = arith.muli %arg1, %mul3A : i32
    %add3A = arith.addi %mul3A_0, %arg0 : i32
    %mul3A_1 = arith.constant 128 : i32
    %mul3A_2 = arith.muli %add3A, %mul3A_1 : i32
    "tpu.region"() ({
      %run_scoped3A = tpu.sem_alloc : memref<!tpu.dma_semaphore, #tpu.memory_space<semaphore_mem>>
      %dma_start3A_115 = arith.constant 0 : i32
      %dma_start3A_116 = tpu.memref_slice %arg2[%dma_start3A_115, %mul3A_2] : memref<200x4096xi32, #tpu.memory_space<hbm>> -> memref<200x128xi32, #tpu.memory_space<hbm>>
      %dma_start3A_117 = arith.constant 0 : i32
      %dma_start3A_118 = tpu.memref_slice %arg2[%dma_start3A_117, %mul3A_2] : memref<200x4096xi32, #tpu.memory_space<hbm>> -> memref<200x128xi32, #tpu.memory_space<hbm>>
      tpu.enqueue_dma source(%dma_start3A_118 : memref<200x128xi32, #tpu.memory_space<hbm>>) target(%arg5 : memref<200x128xi32, #tpu.memory_space<vmem>>) target_semaphore(%run_scoped3A : memref<!tpu.dma_semaphore, #tpu.memory_space<semaphore_mem>>)
      %dma_wait3A_119 = arith.constant 0 : i32
      %dma_wait3A_120 = tpu.memref_slice %arg2[%dma_wait3A_119, %mul3A_2] : memref<200x4096xi32, #tpu.memory_space<hbm>> -> memref<200x128xi32, #tpu.memory_space<hbm>>
      %dma_wait3A_121 = arith.constant 0 : i32
      %dma_wait3A_122 = tpu.memref_slice %arg2[%dma_wait3A_121, %mul3A_2] : memref<200x4096xi32, #tpu.memory_space<hbm>> -> memref<200x128xi32, #tpu.memory_space<hbm>>
      tpu.wait_dma2 semaphore(%run_scoped3A : memref<!tpu.dma_semaphore, #tpu.memory_space<semaphore_mem>>) src(%dma_wait3A_122 : memref<200x128xi32, #tpu.memory_space<hbm>>) dst(%arg5 : memref<200x128xi32, #tpu.memory_space<vmem>>)
      tpu.yield
    }) : () -> ()
    %dma_start3A = arith.constant 0 : i32
    %dma_start3A_3 = arith.constant 0 : i32
    %dma_start3A_4 = arith.constant 0 : i32
    %dma_start3A_5 = arith.constant 0 : i32
    %dma_start3A_6 = arith.constant 0 : i32
    %dma_start3A_7 = tpu.memref_slice %arg6[%dma_start3A_3, %dma_start3A_5, %dma_start3A_6] : memref<4x128x64xf32, #tpu.memory_space<vmem>> -> memref<1x128x64xf32, #tpu.memory_space<vmem>>
    %dma_start3A_8 = tpu.memref_squeeze %dma_start3A_7 : memref<1x128x64xf32, #tpu.memory_space<vmem>> -> memref<128x64xf32, #tpu.memory_space<vmem>>
    %dma_start3A_9 = arith.constant 0 : i32
    %dma_start3A_10 = tpu.memref_slice %arg5[%dma_start3A, %dma_start3A_9] : memref<200x128xi32, #tpu.memory_space<vmem>> -> memref<1x128xi32, #tpu.memory_space<vmem>>
    %dma_start3A_11 = tpu.memref_squeeze %dma_start3A_10 : memref<1x128xi32, #tpu.memory_space<vmem>> -> memref<128xi32, #tpu.memory_space<vmem>>
    %dma_start3A_12 = arith.constant 0 : i32
    %dma_start3A_13 = arith.constant 0 : i32
    %dma_start3A_14 = tpu.memref_slice %arg3[%dma_start3A_12, %dma_start3A_13] : memref<1000000x64xf32, #tpu.memory_space<hbm>> -> memref<1000000x64xf32, #tpu.memory_space<hbm>>
    %dma_start3A_15 = tpu.memref_slice %arg7[%dma_start3A_4] : memref<4x!tpu.dma_semaphore, #tpu.memory_space<semaphore_mem>> -> memref<1x!tpu.dma_semaphore, #tpu.memory_space<semaphore_mem>>
    %dma_start3A_16 = tpu.memref_squeeze %dma_start3A_15 : memref<1x!tpu.dma_semaphore, #tpu.memory_space<semaphore_mem>> -> memref<!tpu.dma_semaphore, #tpu.memory_space<semaphore_mem>>
    tpu.enqueue_indirect_dma source(%dma_start3A_14 : memref<1000000x64xf32, #tpu.memory_space<hbm>>) target(%dma_start3A_8 : memref<128x64xf32, #tpu.memory_space<vmem>>) offsets(%dma_start3A_11 : memref<128xi32, #tpu.memory_space<vmem>>) semaphore(%dma_start3A_16 : memref<!tpu.dma_semaphore, #tpu.memory_space<semaphore_mem>>)
    %dma_start3A_17 = arith.constant 1 : i32
    %dma_start3A_18 = arith.constant 1 : i32
    %dma_start3A_19 = arith.constant 1 : i32
    %dma_start3A_20 = arith.constant 0 : i32
    %dma_start3A_21 = arith.constant 0 : i32
    %dma_start3A_22 = tpu.memref_slice %arg6[%dma_start3A_18, %dma_start3A_20, %dma_start3A_21] : memref<4x128x64xf32, #tpu.memory_space<vmem>> -> memref<1x128x64xf32, #tpu.memory_space<vmem>>
    %dma_start3A_23 = tpu.memref_squeeze %dma_start3A_22 : memref<1x128x64xf32, #tpu.memory_space<vmem>> -> memref<128x64xf32, #tpu.memory_space<vmem>>
    %dma_start3A_24 = arith.constant 0 : i32
    %dma_start3A_25 = tpu.memref_slice %arg5[%dma_start3A_17, %dma_start3A_24] : memref<200x128xi32, #tpu.memory_space<vmem>> -> memref<1x128xi32, #tpu.memory_space<vmem>>
    %dma_start3A_26 = tpu.memref_squeeze %dma_start3A_25 : memref<1x128xi32, #tpu.memory_space<vmem>> -> memref<128xi32, #tpu.memory_space<vmem>>
    %dma_start3A_27 = arith.constant 0 : i32
    %dma_start3A_28 = arith.constant 0 : i32
    %dma_start3A_29 = tpu.memref_slice %arg3[%dma_start3A_27, %dma_start3A_28] : memref<1000000x64xf32, #tpu.memory_space<hbm>> -> memref<1000000x64xf32, #tpu.memory_space<hbm>>
    %dma_start3A_30 = tpu.memref_slice %arg7[%dma_start3A_19] : memref<4x!tpu.dma_semaphore, #tpu.memory_space<semaphore_mem>> -> memref<1x!tpu.dma_semaphore, #tpu.memory_space<semaphore_mem>>
    %dma_start3A_31 = tpu.memref_squeeze %dma_start3A_30 : memref<1x!tpu.dma_semaphore, #tpu.memory_space<semaphore_mem>> -> memref<!tpu.dma_semaphore, #tpu.memory_space<semaphore_mem>>
    tpu.enqueue_indirect_dma source(%dma_start3A_29 : memref<1000000x64xf32, #tpu.memory_space<hbm>>) target(%dma_start3A_23 : memref<128x64xf32, #tpu.memory_space<vmem>>) offsets(%dma_start3A_26 : memref<128xi32, #tpu.memory_space<vmem>>) semaphore(%dma_start3A_31 : memref<!tpu.dma_semaphore, #tpu.memory_space<semaphore_mem>>)
    %dma_start3A_32 = arith.constant 2 : i32
    %dma_start3A_33 = arith.constant 2 : i32
    %dma_start3A_34 = arith.constant 2 : i32
    %dma_start3A_35 = arith.constant 0 : i32
    %dma_start3A_36 = arith.constant 0 : i32
    %dma_start3A_37 = tpu.memref_slice %arg6[%dma_start3A_33, %dma_start3A_35, %dma_start3A_36] : memref<4x128x64xf32, #tpu.memory_space<vmem>> -> memref<1x128x64xf32, #tpu.memory_space<vmem>>
    %dma_start3A_38 = tpu.memref_squeeze %dma_start3A_37 : memref<1x128x64xf32, #tpu.memory_space<vmem>> -> memref<128x64xf32, #tpu.memory_space<vmem>>
    %dma_start3A_39 = arith.constant 0 : i32
    %dma_start3A_40 = tpu.memref_slice %arg5[%dma_start3A_32, %dma_start3A_39] : memref<200x128xi32, #tpu.memory_space<vmem>> -> memref<1x128xi32, #tpu.memory_space<vmem>>
    %dma_start3A_41 = tpu.memref_squeeze %dma_start3A_40 : memref<1x128xi32, #tpu.memory_space<vmem>> -> memref<128xi32, #tpu.memory_space<vmem>>
    %dma_start3A_42 = arith.constant 0 : i32
    %dma_start3A_43 = arith.constant 0 : i32
    %dma_start3A_44 = tpu.memref_slice %arg3[%dma_start3A_42, %dma_start3A_43] : memref<1000000x64xf32, #tpu.memory_space<hbm>> -> memref<1000000x64xf32, #tpu.memory_space<hbm>>
    %dma_start3A_45 = tpu.memref_slice %arg7[%dma_start3A_34] : memref<4x!tpu.dma_semaphore, #tpu.memory_space<semaphore_mem>> -> memref<1x!tpu.dma_semaphore, #tpu.memory_space<semaphore_mem>>
    %dma_start3A_46 = tpu.memref_squeeze %dma_start3A_45 : memref<1x!tpu.dma_semaphore, #tpu.memory_space<semaphore_mem>> -> memref<!tpu.dma_semaphore, #tpu.memory_space<semaphore_mem>>
    tpu.enqueue_indirect_dma source(%dma_start3A_44 : memref<1000000x64xf32, #tpu.memory_space<hbm>>) target(%dma_start3A_38 : memref<128x64xf32, #tpu.memory_space<vmem>>) offsets(%dma_start3A_41 : memref<128xi32, #tpu.memory_space<vmem>>) semaphore(%dma_start3A_46 : memref<!tpu.dma_semaphore, #tpu.memory_space<semaphore_mem>>)
    %scan3A = arith.constant 0 : i32
    %scan3A_47 = arith.constant 0 : i32
    %scan3A_48 = arith.constant 50 : i32
    %scan3A_49 = arith.addi %scan3A_47, %scan3A_48 : i32
    %scan3A_50 = arith.constant 1 : i32
    scf.for %scan3A_115 = %scan3A_47 to %scan3A_49 step %scan3A_50  : i32 {
      %mul3A_116 = arith.constant 4 : i32
      %mul3A_117 = arith.muli %scan3A_115, %mul3A_116 : i32
      %add3A_118 = arith.constant 0 : i32
      %add3A_119 = arith.addi %mul3A_117, %add3A_118 : i32
      %add3A_120 = arith.constant 3 : i32
      %add3A_121 = arith.addi %add3A_119, %add3A_120 : i32
      %lt3A = arith.constant 200 : i32
      %lt3A_122 = arith.cmpi slt, %add3A_121, %lt3A : i32
      %convert_element_type3A = arith.extui %lt3A_122 : i1 to i32
      %cond3A = arith.constant 0 : i32
      %cond3A_123 = arith.cmpi ne, %convert_element_type3A, %cond3A : i32
      scf.if %cond3A_123 {
        %add3A_287 = arith.constant 3 : i32
        %add3A_288 = arith.addi %add3A_119, %add3A_287 : i32
        %ge3A = arith.constant 4 : i32
        %ge3A_289 = arith.cmpi sge, %add3A_288, %ge3A : i32
        %convert_element_type3A_290 = arith.extui %ge3A_289 : i1 to i32
        %cond3A_291 = arith.constant 0 : i32
        %cond3A_292 = arith.cmpi ne, %convert_element_type3A_290, %cond3A_291 : i32
        scf.if %cond3A_292 {
          %dma_wait3A_309 = arith.constant 3 : i32
          %dma_wait3A_310 = arith.constant 3 : i32
          %dma_wait3A_311 = arith.constant 0 : i32
          %dma_wait3A_312 = arith.constant 0 : i32
          %dma_wait3A_313 = tpu.memref_slice %arg6[%dma_wait3A_309, %dma_wait3A_311, %dma_wait3A_312] : memref<4x128x64xf32, #tpu.memory_space<vmem>> -> memref<1x128x64xf32, #tpu.memory_space<vmem>>
          %dma_wait3A_314 = tpu.memref_squeeze %dma_wait3A_313 : memref<1x128x64xf32, #tpu.memory_space<vmem>> -> memref<128x64xf32, #tpu.memory_space<vmem>>
          %dma_wait3A_315 = arith.constant 0 : i32
          %dma_wait3A_316 = tpu.memref_slice %arg4[%mul3A_2, %dma_wait3A_315] : memref<819200x128xf32, #tpu.memory_space<hbm>> -> memref<128x64xf32, #tpu.memory_space<hbm>>
          %dma_wait3A_317 = tpu.memref_slice %arg8[%dma_wait3A_310] : memref<4x!tpu.dma_semaphore, #tpu.memory_space<semaphore_mem>> -> memref<1x!tpu.dma_semaphore, #tpu.memory_space<semaphore_mem>>
          %dma_wait3A_318 = tpu.memref_squeeze %dma_wait3A_317 : memref<1x!tpu.dma_semaphore, #tpu.memory_space<semaphore_mem>> -> memref<!tpu.dma_semaphore, #tpu.memory_space<semaphore_mem>>
          %dma_wait3A_319 = arith.constant 0 : i32
          %dma_wait3A_320 = tpu.memref_slice %arg4[%mul3A_2, %dma_wait3A_319] : memref<819200x128xf32, #tpu.memory_space<hbm>> -> memref<128x64xf32, #tpu.memory_space<hbm>>
          %dma_wait3A_321 = arith.constant 0 : i32
          %dma_wait3A_322 = arith.constant 0 : i32
          %dma_wait3A_323 = tpu.memref_slice %arg6[%dma_wait3A_309, %dma_wait3A_321, %dma_wait3A_322] : memref<4x128x64xf32, #tpu.memory_space<vmem>> -> memref<1x128x64xf32, #tpu.memory_space<vmem>>
          %dma_wait3A_324 = tpu.memref_squeeze %dma_wait3A_323 : memref<1x128x64xf32, #tpu.memory_space<vmem>> -> memref<128x64xf32, #tpu.memory_space<vmem>>
          tpu.wait_dma2 semaphore(%dma_wait3A_318 : memref<!tpu.dma_semaphore, #tpu.memory_space<semaphore_mem>>) src(%dma_wait3A_324 : memref<128x64xf32, #tpu.memory_space<vmem>>) dst(%dma_wait3A_320 : memref<128x64xf32, #tpu.memory_space<hbm>>)
        } else {
        }
        %add3A_293 = arith.constant 3 : i32
        %add3A_294 = arith.addi %add3A_119, %add3A_293 : i32
        %dma_start3A_295 = arith.constant 3 : i32
        %dma_start3A_296 = arith.constant 3 : i32
        %dma_start3A_297 = arith.constant 0 : i32
        %dma_start3A_298 = arith.constant 0 : i32
        %dma_start3A_299 = tpu.memref_slice %arg6[%dma_start3A_295, %dma_start3A_297, %dma_start3A_298] : memref<4x128x64xf32, #tpu.memory_space<vmem>> -> memref<1x128x64xf32, #tpu.memory_space<vmem>>
        %dma_start3A_300 = tpu.memref_squeeze %dma_start3A_299 : memref<1x128x64xf32, #tpu.memory_space<vmem>> -> memref<128x64xf32, #tpu.memory_space<vmem>>
        %dma_start3A_301 = arith.constant 0 : i32
        %dma_start3A_302 = tpu.memref_slice %arg5[%add3A_294, %dma_start3A_301] : memref<200x128xi32, #tpu.memory_space<vmem>> -> memref<1x128xi32, #tpu.memory_space<vmem>>
        %dma_start3A_303 = tpu.memref_squeeze %dma_start3A_302 : memref<1x128xi32, #tpu.memory_space<vmem>> -> memref<128xi32, #tpu.memory_space<vmem>>
        %dma_start3A_304 = arith.constant 0 : i32
        %dma_start3A_305 = arith.constant 0 : i32
        %dma_start3A_306 = tpu.memref_slice %arg3[%dma_start3A_304, %dma_start3A_305] : memref<1000000x64xf32, #tpu.memory_space<hbm>> -> memref<1000000x64xf32, #tpu.memory_space<hbm>>
        %dma_start3A_307 = tpu.memref_slice %arg7[%dma_start3A_296] : memref<4x!tpu.dma_semaphore, #tpu.memory_space<semaphore_mem>> -> memref<1x!tpu.dma_semaphore, #tpu.memory_space<semaphore_mem>>
        %dma_start3A_308 = tpu.memref_squeeze %dma_start3A_307 : memref<1x!tpu.dma_semaphore, #tpu.memory_space<semaphore_mem>> -> memref<!tpu.dma_semaphore, #tpu.memory_space<semaphore_mem>>
        tpu.enqueue_indirect_dma source(%dma_start3A_306 : memref<1000000x64xf32, #tpu.memory_space<hbm>>) target(%dma_start3A_300 : memref<128x64xf32, #tpu.memory_space<vmem>>) offsets(%dma_start3A_303 : memref<128xi32, #tpu.memory_space<vmem>>) semaphore(%dma_start3A_308 : memref<!tpu.dma_semaphore, #tpu.memory_space<semaphore_mem>>)
      } else {
      }
      %dma_wait3A_124 = arith.constant 0 : i32
      %dma_wait3A_125 = arith.constant 0 : i32
      %dma_wait3A_126 = arith.constant 0 : i32
      %dma_wait3A_127 = arith.constant 0 : i32
      %dma_wait3A_128 = arith.constant 0 : i32
      %dma_wait3A_129 = tpu.memref_slice %arg6[%dma_wait3A_125, %dma_wait3A_127, %dma_wait3A_128] : memref<4x128x64xf32, #tpu.memory_space<vmem>> -> memref<1x128x64xf32, #tpu.memory_space<vmem>>
      %dma_wait3A_130 = tpu.memref_squeeze %dma_wait3A_129 : memref<1x128x64xf32, #tpu.memory_space<vmem>> -> memref<128x64xf32, #tpu.memory_space<vmem>>
      %dma_wait3A_131 = arith.constant 0 : i32
      %dma_wait3A_132 = tpu.memref_slice %arg5[%dma_wait3A_124, %dma_wait3A_131] : memref<200x128xi32, #tpu.memory_space<vmem>> -> memref<1x128xi32, #tpu.memory_space<vmem>>
      %dma_wait3A_133 = tpu.memref_squeeze %dma_wait3A_132 : memref<1x128xi32, #tpu.memory_space<vmem>> -> memref<128xi32, #tpu.memory_space<vmem>>
      %dma_wait3A_134 = arith.constant 0 : i32
      %dma_wait3A_135 = arith.constant 0 : i32
      %dma_wait3A_136 = tpu.memref_slice %arg3[%dma_wait3A_134, %dma_wait3A_135] : memref<1000000x64xf32, #tpu.memory_space<hbm>> -> memref<1000000x64xf32, #tpu.memory_space<hbm>>
      %dma_wait3A_137 = tpu.memref_slice %arg7[%dma_wait3A_126] : memref<4x!tpu.dma_semaphore, #tpu.memory_space<semaphore_mem>> -> memref<1x!tpu.dma_semaphore, #tpu.memory_space<semaphore_mem>>
      %dma_wait3A_138 = tpu.memref_squeeze %dma_wait3A_137 : memref<1x!tpu.dma_semaphore, #tpu.memory_space<semaphore_mem>> -> memref<!tpu.dma_semaphore, #tpu.memory_space<semaphore_mem>>
      tpu.wait_indirect_dma semaphore(%dma_wait3A_138 : memref<!tpu.dma_semaphore, #tpu.memory_space<semaphore_mem>>) src(%dma_wait3A_136 : memref<1000000x64xf32, #tpu.memory_space<hbm>>) dst(%dma_wait3A_130 : memref<128x64xf32, #tpu.memory_space<vmem>>)
      %mul3A_139 = arith.constant 4096 : i32
      %mul3A_140 = arith.muli %add3A_119, %mul3A_139 : i32
      %add3A_141 = arith.addi %mul3A_140, %mul3A_2 : i32
      %dma_start3A_142 = arith.constant 0 : i32
      %dma_start3A_143 = arith.constant 0 : i32
      %dma_start3A_144 = arith.constant 0 : i32
      %dma_start3A_145 = arith.constant 0 : i32
      %dma_start3A_146 = tpu.memref_slice %arg6[%dma_start3A_142, %dma_start3A_144, %dma_start3A_145] : memref<4x128x64xf32, #tpu.memory_space<vmem>> -> memref<1x128x64xf32, #tpu.memory_space<vmem>>
      %dma_start3A_147 = tpu.memref_squeeze %dma_start3A_146 : memref<1x128x64xf32, #tpu.memory_space<vmem>> -> memref<128x64xf32, #tpu.memory_space<vmem>>
      %dma_start3A_148 = arith.constant 0 : i32
      %dma_start3A_149 = tpu.memref_slice %arg4[%add3A_141, %dma_start3A_148] : memref<819200x128xf32, #tpu.memory_space<hbm>> -> memref<128x64xf32, #tpu.memory_space<hbm>>
      %dma_start3A_150 = tpu.memref_slice %arg8[%dma_start3A_143] : memref<4x!tpu.dma_semaphore, #tpu.memory_space<semaphore_mem>> -> memref<1x!tpu.dma_semaphore, #tpu.memory_space<semaphore_mem>>
      %dma_start3A_151 = tpu.memref_squeeze %dma_start3A_150 : memref<1x!tpu.dma_semaphore, #tpu.memory_space<semaphore_mem>> -> memref<!tpu.dma_semaphore, #tpu.memory_space<semaphore_mem>>
      %dma_start3A_152 = arith.constant 0 : i32
      %dma_start3A_153 = tpu.memref_slice %arg4[%add3A_141, %dma_start3A_152] : memref<819200x128xf32, #tpu.memory_space<hbm>> -> memref<128x64xf32, #tpu.memory_space<hbm>>
      %dma_start3A_154 = arith.constant 0 : i32
      %dma_start3A_155 = arith.constant 0 : i32
      %dma_start3A_156 = tpu.memref_slice %arg6[%dma_start3A_142, %dma_start3A_154, %dma_start3A_155] : memref<4x128x64xf32, #tpu.memory_space<vmem>> -> memref<1x128x64xf32, #tpu.memory_space<vmem>>
      %dma_start3A_157 = tpu.memref_squeeze %dma_start3A_156 : memref<1x128x64xf32, #tpu.memory_space<vmem>> -> memref<128x64xf32, #tpu.memory_space<vmem>>
      tpu.enqueue_dma source(%dma_start3A_157 : memref<128x64xf32, #tpu.memory_space<vmem>>) target(%dma_start3A_153 : memref<128x64xf32, #tpu.memory_space<hbm>>) target_semaphore(%dma_start3A_151 : memref<!tpu.dma_semaphore, #tpu.memory_space<semaphore_mem>>)
      %add3A_158 = arith.constant 1 : i32
      %add3A_159 = arith.addi %mul3A_117, %add3A_158 : i32
      %add3A_160 = arith.constant 3 : i32
      %add3A_161 = arith.addi %add3A_159, %add3A_160 : i32
      %lt3A_162 = arith.constant 200 : i32
      %lt3A_163 = arith.cmpi slt, %add3A_161, %lt3A_162 : i32
      %convert_element_type3A_164 = arith.extui %lt3A_163 : i1 to i32
      %cond3A_165 = arith.constant 0 : i32
      %cond3A_166 = arith.cmpi ne, %convert_element_type3A_164, %cond3A_165 : i32
      scf.if %cond3A_166 {
        %add3A_287 = arith.constant 3 : i32
        %add3A_288 = arith.addi %add3A_159, %add3A_287 : i32
        %ge3A = arith.constant 4 : i32
        %ge3A_289 = arith.cmpi sge, %add3A_288, %ge3A : i32
        %convert_element_type3A_290 = arith.extui %ge3A_289 : i1 to i32
        %cond3A_291 = arith.constant 0 : i32
        %cond3A_292 = arith.cmpi ne, %convert_element_type3A_290, %cond3A_291 : i32
        scf.if %cond3A_292 {
          %dma_wait3A_309 = arith.constant 0 : i32
          %dma_wait3A_310 = arith.constant 0 : i32
          %dma_wait3A_311 = arith.constant 0 : i32
          %dma_wait3A_312 = arith.constant 0 : i32
          %dma_wait3A_313 = tpu.memref_slice %arg6[%dma_wait3A_309, %dma_wait3A_311, %dma_wait3A_312] : memref<4x128x64xf32, #tpu.memory_space<vmem>> -> memref<1x128x64xf32, #tpu.memory_space<vmem>>
          %dma_wait3A_314 = tpu.memref_squeeze %dma_wait3A_313 : memref<1x128x64xf32, #tpu.memory_space<vmem>> -> memref<128x64xf32, #tpu.memory_space<vmem>>
          %dma_wait3A_315 = arith.constant 0 : i32
          %dma_wait3A_316 = tpu.memref_slice %arg4[%mul3A_2, %dma_wait3A_315] : memref<819200x128xf32, #tpu.memory_space<hbm>> -> memref<128x64xf32, #tpu.memory_space<hbm>>
          %dma_wait3A_317 = tpu.memref_slice %arg8[%dma_wait3A_310] : memref<4x!tpu.dma_semaphore, #tpu.memory_space<semaphore_mem>> -> memref<1x!tpu.dma_semaphore, #tpu.memory_space<semaphore_mem>>
          %dma_wait3A_318 = tpu.memref_squeeze %dma_wait3A_317 : memref<1x!tpu.dma_semaphore, #tpu.memory_space<semaphore_mem>> -> memref<!tpu.dma_semaphore, #tpu.memory_space<semaphore_mem>>
          %dma_wait3A_319 = arith.constant 0 : i32
          %dma_wait3A_320 = tpu.memref_slice %arg4[%mul3A_2, %dma_wait3A_319] : memref<819200x128xf32, #tpu.memory_space<hbm>> -> memref<128x64xf32, #tpu.memory_space<hbm>>
          %dma_wait3A_321 = arith.constant 0 : i32
          %dma_wait3A_322 = arith.constant 0 : i32
          %dma_wait3A_323 = tpu.memref_slice %arg6[%dma_wait3A_309, %dma_wait3A_321, %dma_wait3A_322] : memref<4x128x64xf32, #tpu.memory_space<vmem>> -> memref<1x128x64xf32, #tpu.memory_space<vmem>>
          %dma_wait3A_324 = tpu.memref_squeeze %dma_wait3A_323 : memref<1x128x64xf32, #tpu.memory_space<vmem>> -> memref<128x64xf32, #tpu.memory_space<vmem>>
          tpu.wait_dma2 semaphore(%dma_wait3A_318 : memref<!tpu.dma_semaphore, #tpu.memory_space<semaphore_mem>>) src(%dma_wait3A_324 : memref<128x64xf32, #tpu.memory_space<vmem>>) dst(%dma_wait3A_320 : memref<128x64xf32, #tpu.memory_space<hbm>>)
        } else {
        }
        %add3A_293 = arith.constant 3 : i32
        %add3A_294 = arith.addi %add3A_159, %add3A_293 : i32
        %dma_start3A_295 = arith.constant 0 : i32
        %dma_start3A_296 = arith.constant 0 : i32
        %dma_start3A_297 = arith.constant 0 : i32
        %dma_start3A_298 = arith.constant 0 : i32
        %dma_start3A_299 = tpu.memref_slice %arg6[%dma_start3A_295, %dma_start3A_297, %dma_start3A_298] : memref<4x128x64xf32, #tpu.memory_space<vmem>> -> memref<1x128x64xf32, #tpu.memory_space<vmem>>
        %dma_start3A_300 = tpu.memref_squeeze %dma_start3A_299 : memref<1x128x64xf32, #tpu.memory_space<vmem>> -> memref<128x64xf32, #tpu.memory_space<vmem>>
        %dma_start3A_301 = arith.constant 0 : i32
        %dma_start3A_302 = tpu.memref_slice %arg5[%add3A_294, %dma_start3A_301] : memref<200x128xi32, #tpu.memory_space<vmem>> -> memref<1x128xi32, #tpu.memory_space<vmem>>
        %dma_start3A_303 = tpu.memref_squeeze %dma_start3A_302 : memref<1x128xi32, #tpu.memory_space<vmem>> -> memref<128xi32, #tpu.memory_space<vmem>>
        %dma_start3A_304 = arith.constant 0 : i32
        %dma_start3A_305 = arith.constant 0 : i32
        %dma_start3A_306 = tpu.memref_slice %arg3[%dma_start3A_304, %dma_start3A_305] : memref<1000000x64xf32, #tpu.memory_space<hbm>> -> memref<1000000x64xf32, #tpu.memory_space<hbm>>
        %dma_start3A_307 = tpu.memref_slice %arg7[%dma_start3A_296] : memref<4x!tpu.dma_semaphore, #tpu.memory_space<semaphore_mem>> -> memref<1x!tpu.dma_semaphore, #tpu.memory_space<semaphore_mem>>
        %dma_start3A_308 = tpu.memref_squeeze %dma_start3A_307 : memref<1x!tpu.dma_semaphore, #tpu.memory_space<semaphore_mem>> -> memref<!tpu.dma_semaphore, #tpu.memory_space<semaphore_mem>>
        tpu.enqueue_indirect_dma source(%dma_start3A_306 : memref<1000000x64xf32, #tpu.memory_space<hbm>>) target(%dma_start3A_300 : memref<128x64xf32, #tpu.memory_space<vmem>>) offsets(%dma_start3A_303 : memref<128xi32, #tpu.memory_space<vmem>>) semaphore(%dma_start3A_308 : memref<!tpu.dma_semaphore, #tpu.memory_space<semaphore_mem>>)
      } else {
      }
      %dma_wait3A_167 = arith.constant 0 : i32
      %dma_wait3A_168 = arith.constant 1 : i32
      %dma_wait3A_169 = arith.constant 1 : i32
      %dma_wait3A_170 = arith.constant 0 : i32
      %dma_wait3A_171 = arith.constant 0 : i32
      %dma_wait3A_172 = tpu.memref_slice %arg6[%dma_wait3A_168, %dma_wait3A_170, %dma_wait3A_171] : memref<4x128x64xf32, #tpu.memory_space<vmem>> -> memref<1x128x64xf32, #tpu.memory_space<vmem>>
      %dma_wait3A_173 = tpu.memref_squeeze %dma_wait3A_172 : memref<1x128x64xf32, #tpu.memory_space<vmem>> -> memref<128x64xf32, #tpu.memory_space<vmem>>
      %dma_wait3A_174 = arith.constant 0 : i32
      %dma_wait3A_175 = tpu.memref_slice %arg5[%dma_wait3A_167, %dma_wait3A_174] : memref<200x128xi32, #tpu.memory_space<vmem>> -> memref<1x128xi32, #tpu.memory_space<vmem>>
      %dma_wait3A_176 = tpu.memref_squeeze %dma_wait3A_175 : memref<1x128xi32, #tpu.memory_space<vmem>> -> memref<128xi32, #tpu.memory_space<vmem>>
      %dma_wait3A_177 = arith.constant 0 : i32
      %dma_wait3A_178 = arith.constant 0 : i32
      %dma_wait3A_179 = tpu.memref_slice %arg3[%dma_wait3A_177, %dma_wait3A_178] : memref<1000000x64xf32, #tpu.memory_space<hbm>> -> memref<1000000x64xf32, #tpu.memory_space<hbm>>
      %dma_wait3A_180 = tpu.memref_slice %arg7[%dma_wait3A_169] : memref<4x!tpu.dma_semaphore, #tpu.memory_space<semaphore_mem>> -> memref<1x!tpu.dma_semaphore, #tpu.memory_space<semaphore_mem>>
      %dma_wait3A_181 = tpu.memref_squeeze %dma_wait3A_180 : memref<1x!tpu.dma_semaphore, #tpu.memory_space<semaphore_mem>> -> memref<!tpu.dma_semaphore, #tpu.memory_space<semaphore_mem>>
      tpu.wait_indirect_dma semaphore(%dma_wait3A_181 : memref<!tpu.dma_semaphore, #tpu.memory_space<semaphore_mem>>) src(%dma_wait3A_179 : memref<1000000x64xf32, #tpu.memory_space<hbm>>) dst(%dma_wait3A_173 : memref<128x64xf32, #tpu.memory_space<vmem>>)
      %mul3A_182 = arith.constant 4096 : i32
      %mul3A_183 = arith.muli %add3A_159, %mul3A_182 : i32
      %add3A_184 = arith.addi %mul3A_183, %mul3A_2 : i32
      %dma_start3A_185 = arith.constant 1 : i32
      %dma_start3A_186 = arith.constant 1 : i32
      %dma_start3A_187 = arith.constant 0 : i32
      %dma_start3A_188 = arith.constant 0 : i32
      %dma_start3A_189 = tpu.memref_slice %arg6[%dma_start3A_185, %dma_start3A_187, %dma_start3A_188] : memref<4x128x64xf32, #tpu.memory_space<vmem>> -> memref<1x128x64xf32, #tpu.memory_space<vmem>>
      %dma_start3A_190 = tpu.memref_squeeze %dma_start3A_189 : memref<1x128x64xf32, #tpu.memory_space<vmem>> -> memref<128x64xf32, #tpu.memory_space<vmem>>
      %dma_start3A_191 = arith.constant 0 : i32
      %dma_start3A_192 = tpu.memref_slice %arg4[%add3A_184, %dma_start3A_191] : memref<819200x128xf32, #tpu.memory_space<hbm>> -> memref<128x64xf32, #tpu.memory_space<hbm>>
      %dma_start3A_193 = tpu.memref_slice %arg8[%dma_start3A_186] : memref<4x!tpu.dma_semaphore, #tpu.memory_space<semaphore_mem>> -> memref<1x!tpu.dma_semaphore, #tpu.memory_space<semaphore_mem>>
      %dma_start3A_194 = tpu.memref_squeeze %dma_start3A_193 : memref<1x!tpu.dma_semaphore, #tpu.memory_space<semaphore_mem>> -> memref<!tpu.dma_semaphore, #tpu.memory_space<semaphore_mem>>
      %dma_start3A_195 = arith.constant 0 : i32
      %dma_start3A_196 = tpu.memref_slice %arg4[%add3A_184, %dma_start3A_195] : memref<819200x128xf32, #tpu.memory_space<hbm>> -> memref<128x64xf32, #tpu.memory_space<hbm>>
      %dma_start3A_197 = arith.constant 0 : i32
      %dma_start3A_198 = arith.constant 0 : i32
      %dma_start3A_199 = tpu.memref_slice %arg6[%dma_start3A_185, %dma_start3A_197, %dma_start3A_198] : memref<4x128x64xf32, #tpu.memory_space<vmem>> -> memref<1x128x64xf32, #tpu.memory_space<vmem>>
      %dma_start3A_200 = tpu.memref_squeeze %dma_start3A_199 : memref<1x128x64xf32, #tpu.memory_space<vmem>> -> memref<128x64xf32, #tpu.memory_space<vmem>>
      tpu.enqueue_dma source(%dma_start3A_200 : memref<128x64xf32, #tpu.memory_space<vmem>>) target(%dma_start3A_196 : memref<128x64xf32, #tpu.memory_space<hbm>>) target_semaphore(%dma_start3A_194 : memref<!tpu.dma_semaphore, #tpu.memory_space<semaphore_mem>>)
      %add3A_201 = arith.constant 2 : i32
      %add3A_202 = arith.addi %mul3A_117, %add3A_201 : i32
      %add3A_203 = arith.constant 3 : i32
      %add3A_204 = arith.addi %add3A_202, %add3A_203 : i32
      %lt3A_205 = arith.constant 200 : i32
      %lt3A_206 = arith.cmpi slt, %add3A_204, %lt3A_205 : i32
      %convert_element_type3A_207 = arith.extui %lt3A_206 : i1 to i32
      %cond3A_208 = arith.constant 0 : i32
      %cond3A_209 = arith.cmpi ne, %convert_element_type3A_207, %cond3A_208 : i32
      scf.if %cond3A_209 {
        %add3A_287 = arith.constant 3 : i32
        %add3A_288 = arith.addi %add3A_202, %add3A_287 : i32
        %ge3A = arith.constant 4 : i32
        %ge3A_289 = arith.cmpi sge, %add3A_288, %ge3A : i32
        %convert_element_type3A_290 = arith.extui %ge3A_289 : i1 to i32
        %cond3A_291 = arith.constant 0 : i32
        %cond3A_292 = arith.cmpi ne, %convert_element_type3A_290, %cond3A_291 : i32
        scf.if %cond3A_292 {
          %dma_wait3A_309 = arith.constant 1 : i32
          %dma_wait3A_310 = arith.constant 1 : i32
          %dma_wait3A_311 = arith.constant 0 : i32
          %dma_wait3A_312 = arith.constant 0 : i32
          %dma_wait3A_313 = tpu.memref_slice %arg6[%dma_wait3A_309, %dma_wait3A_311, %dma_wait3A_312] : memref<4x128x64xf32, #tpu.memory_space<vmem>> -> memref<1x128x64xf32, #tpu.memory_space<vmem>>
          %dma_wait3A_314 = tpu.memref_squeeze %dma_wait3A_313 : memref<1x128x64xf32, #tpu.memory_space<vmem>> -> memref<128x64xf32, #tpu.memory_space<vmem>>
          %dma_wait3A_315 = arith.constant 0 : i32
          %dma_wait3A_316 = tpu.memref_slice %arg4[%mul3A_2, %dma_wait3A_315] : memref<819200x128xf32, #tpu.memory_space<hbm>> -> memref<128x64xf32, #tpu.memory_space<hbm>>
          %dma_wait3A_317 = tpu.memref_slice %arg8[%dma_wait3A_310] : memref<4x!tpu.dma_semaphore, #tpu.memory_space<semaphore_mem>> -> memref<1x!tpu.dma_semaphore, #tpu.memory_space<semaphore_mem>>
          %dma_wait3A_318 = tpu.memref_squeeze %dma_wait3A_317 : memref<1x!tpu.dma_semaphore, #tpu.memory_space<semaphore_mem>> -> memref<!tpu.dma_semaphore, #tpu.memory_space<semaphore_mem>>
          %dma_wait3A_319 = arith.constant 0 : i32
          %dma_wait3A_320 = tpu.memref_slice %arg4[%mul3A_2, %dma_wait3A_319] : memref<819200x128xf32, #tpu.memory_space<hbm>> -> memref<128x64xf32, #tpu.memory_space<hbm>>
          %dma_wait3A_321 = arith.constant 0 : i32
          %dma_wait3A_322 = arith.constant 0 : i32
          %dma_wait3A_323 = tpu.memref_slice %arg6[%dma_wait3A_309, %dma_wait3A_321, %dma_wait3A_322] : memref<4x128x64xf32, #tpu.memory_space<vmem>> -> memref<1x128x64xf32, #tpu.memory_space<vmem>>
          %dma_wait3A_324 = tpu.memref_squeeze %dma_wait3A_323 : memref<1x128x64xf32, #tpu.memory_space<vmem>> -> memref<128x64xf32, #tpu.memory_space<vmem>>
          tpu.wait_dma2 semaphore(%dma_wait3A_318 : memref<!tpu.dma_semaphore, #tpu.memory_space<semaphore_mem>>) src(%dma_wait3A_324 : memref<128x64xf32, #tpu.memory_space<vmem>>) dst(%dma_wait3A_320 : memref<128x64xf32, #tpu.memory_space<hbm>>)
        } else {
        }
        %add3A_293 = arith.constant 3 : i32
        %add3A_294 = arith.addi %add3A_202, %add3A_293 : i32
        %dma_start3A_295 = arith.constant 1 : i32
        %dma_start3A_296 = arith.constant 1 : i32
        %dma_start3A_297 = arith.constant 0 : i32
        %dma_start3A_298 = arith.constant 0 : i32
        %dma_start3A_299 = tpu.memref_slice %arg6[%dma_start3A_295, %dma_start3A_297, %dma_start3A_298] : memref<4x128x64xf32, #tpu.memory_space<vmem>> -> memref<1x128x64xf32, #tpu.memory_space<vmem>>
        %dma_start3A_300 = tpu.memref_squeeze %dma_start3A_299 : memref<1x128x64xf32, #tpu.memory_space<vmem>> -> memref<128x64xf32, #tpu.memory_space<vmem>>
        %dma_start3A_301 = arith.constant 0 : i32
        %dma_start3A_302 = tpu.memref_slice %arg5[%add3A_294, %dma_start3A_301] : memref<200x128xi32, #tpu.memory_space<vmem>> -> memref<1x128xi32, #tpu.memory_space<vmem>>
        %dma_start3A_303 = tpu.memref_squeeze %dma_start3A_302 : memref<1x128xi32, #tpu.memory_space<vmem>> -> memref<128xi32, #tpu.memory_space<vmem>>
        %dma_start3A_304 = arith.constant 0 : i32
        %dma_start3A_305 = arith.constant 0 : i32
        %dma_start3A_306 = tpu.memref_slice %arg3[%dma_start3A_304, %dma_start3A_305] : memref<1000000x64xf32, #tpu.memory_space<hbm>> -> memref<1000000x64xf32, #tpu.memory_space<hbm>>
        %dma_start3A_307 = tpu.memref_slice %arg7[%dma_start3A_296] : memref<4x!tpu.dma_semaphore, #tpu.memory_space<semaphore_mem>> -> memref<1x!tpu.dma_semaphore, #tpu.memory_space<semaphore_mem>>
        %dma_start3A_308 = tpu.memref_squeeze %dma_start3A_307 : memref<1x!tpu.dma_semaphore, #tpu.memory_space<semaphore_mem>> -> memref<!tpu.dma_semaphore, #tpu.memory_space<semaphore_mem>>
        tpu.enqueue_indirect_dma source(%dma_start3A_306 : memref<1000000x64xf32, #tpu.memory_space<hbm>>) target(%dma_start3A_300 : memref<128x64xf32, #tpu.memory_space<vmem>>) offsets(%dma_start3A_303 : memref<128xi32, #tpu.memory_space<vmem>>) semaphore(%dma_start3A_308 : memref<!tpu.dma_semaphore, #tpu.memory_space<semaphore_mem>>)
      } else {
      }
      %dma_wait3A_210 = arith.constant 0 : i32
      %dma_wait3A_211 = arith.constant 2 : i32
      %dma_wait3A_212 = arith.constant 2 : i32
      %dma_wait3A_213 = arith.constant 0 : i32
      %dma_wait3A_214 = arith.constant 0 : i32
      %dma_wait3A_215 = tpu.memref_slice %arg6[%dma_wait3A_211, %dma_wait3A_213, %dma_wait3A_214] : memref<4x128x64xf32, #tpu.memory_space<vmem>> -> memref<1x128x64xf32, #tpu.memory_space<vmem>>
      %dma_wait3A_216 = tpu.memref_squeeze %dma_wait3A_215 : memref<1x128x64xf32, #tpu.memory_space<vmem>> -> memref<128x64xf32, #tpu.memory_space<vmem>>
      %dma_wait3A_217 = arith.constant 0 : i32
      %dma_wait3A_218 = tpu.memref_slice %arg5[%dma_wait3A_210, %dma_wait3A_217] : memref<200x128xi32, #tpu.memory_space<vmem>> -> memref<1x128xi32, #tpu.memory_space<vmem>>
      %dma_wait3A_219 = tpu.memref_squeeze %dma_wait3A_218 : memref<1x128xi32, #tpu.memory_space<vmem>> -> memref<128xi32, #tpu.memory_space<vmem>>
      %dma_wait3A_220 = arith.constant 0 : i32
      %dma_wait3A_221 = arith.constant 0 : i32
      %dma_wait3A_222 = tpu.memref_slice %arg3[%dma_wait3A_220, %dma_wait3A_221] : memref<1000000x64xf32, #tpu.memory_space<hbm>> -> memref<1000000x64xf32, #tpu.memory_space<hbm>>
      %dma_wait3A_223 = tpu.memref_slice %arg7[%dma_wait3A_212] : memref<4x!tpu.dma_semaphore, #tpu.memory_space<semaphore_mem>> -> memref<1x!tpu.dma_semaphore, #tpu.memory_space<semaphore_mem>>
      %dma_wait3A_224 = tpu.memref_squeeze %dma_wait3A_223 : memref<1x!tpu.dma_semaphore, #tpu.memory_space<semaphore_mem>> -> memref<!tpu.dma_semaphore, #tpu.memory_space<semaphore_mem>>
      tpu.wait_indirect_dma semaphore(%dma_wait3A_224 : memref<!tpu.dma_semaphore, #tpu.memory_space<semaphore_mem>>) src(%dma_wait3A_222 : memref<1000000x64xf32, #tpu.memory_space<hbm>>) dst(%dma_wait3A_216 : memref<128x64xf32, #tpu.memory_space<vmem>>)
      %mul3A_225 = arith.constant 4096 : i32
      %mul3A_226 = arith.muli %add3A_202, %mul3A_225 : i32
      %add3A_227 = arith.addi %mul3A_226, %mul3A_2 : i32
      %dma_start3A_228 = arith.constant 2 : i32
      %dma_start3A_229 = arith.constant 2 : i32
      %dma_start3A_230 = arith.constant 0 : i32
      %dma_start3A_231 = arith.constant 0 : i32
      %dma_start3A_232 = tpu.memref_slice %arg6[%dma_start3A_228, %dma_start3A_230, %dma_start3A_231] : memref<4x128x64xf32, #tpu.memory_space<vmem>> -> memref<1x128x64xf32, #tpu.memory_space<vmem>>
      %dma_start3A_233 = tpu.memref_squeeze %dma_start3A_232 : memref<1x128x64xf32, #tpu.memory_space<vmem>> -> memref<128x64xf32, #tpu.memory_space<vmem>>
      %dma_start3A_234 = arith.constant 0 : i32
      %dma_start3A_235 = tpu.memref_slice %arg4[%add3A_227, %dma_start3A_234] : memref<819200x128xf32, #tpu.memory_space<hbm>> -> memref<128x64xf32, #tpu.memory_space<hbm>>
      %dma_start3A_236 = tpu.memref_slice %arg8[%dma_start3A_229] : memref<4x!tpu.dma_semaphore, #tpu.memory_space<semaphore_mem>> -> memref<1x!tpu.dma_semaphore, #tpu.memory_space<semaphore_mem>>
      %dma_start3A_237 = tpu.memref_squeeze %dma_start3A_236 : memref<1x!tpu.dma_semaphore, #tpu.memory_space<semaphore_mem>> -> memref<!tpu.dma_semaphore, #tpu.memory_space<semaphore_mem>>
      %dma_start3A_238 = arith.constant 0 : i32
      %dma_start3A_239 = tpu.memref_slice %arg4[%add3A_227, %dma_start3A_238] : memref<819200x128xf32, #tpu.memory_space<hbm>> -> memref<128x64xf32, #tpu.memory_space<hbm>>
      %dma_start3A_240 = arith.constant 0 : i32
      %dma_start3A_241 = arith.constant 0 : i32
      %dma_start3A_242 = tpu.memref_slice %arg6[%dma_start3A_228, %dma_start3A_240, %dma_start3A_241] : memref<4x128x64xf32, #tpu.memory_space<vmem>> -> memref<1x128x64xf32, #tpu.memory_space<vmem>>
      %dma_start3A_243 = tpu.memref_squeeze %dma_start3A_242 : memref<1x128x64xf32, #tpu.memory_space<vmem>> -> memref<128x64xf32, #tpu.memory_space<vmem>>
      tpu.enqueue_dma source(%dma_start3A_243 : memref<128x64xf32, #tpu.memory_space<vmem>>) target(%dma_start3A_239 : memref<128x64xf32, #tpu.memory_space<hbm>>) target_semaphore(%dma_start3A_237 : memref<!tpu.dma_semaphore, #tpu.memory_space<semaphore_mem>>)
      %add3A_244 = arith.constant 3 : i32
      %add3A_245 = arith.addi %mul3A_117, %add3A_244 : i32
      %add3A_246 = arith.constant 3 : i32
      %add3A_247 = arith.addi %add3A_245, %add3A_246 : i32
      %lt3A_248 = arith.constant 200 : i32
      %lt3A_249 = arith.cmpi slt, %add3A_247, %lt3A_248 : i32
      %convert_element_type3A_250 = arith.extui %lt3A_249 : i1 to i32
      %cond3A_251 = arith.constant 0 : i32
      %cond3A_252 = arith.cmpi ne, %convert_element_type3A_250, %cond3A_251 : i32
      scf.if %cond3A_252 {
        %add3A_287 = arith.constant 3 : i32
        %add3A_288 = arith.addi %add3A_245, %add3A_287 : i32
        %ge3A = arith.constant 4 : i32
        %ge3A_289 = arith.cmpi sge, %add3A_288, %ge3A : i32
        %convert_element_type3A_290 = arith.extui %ge3A_289 : i1 to i32
        %cond3A_291 = arith.constant 0 : i32
        %cond3A_292 = arith.cmpi ne, %convert_element_type3A_290, %cond3A_291 : i32
        scf.if %cond3A_292 {
          %dma_wait3A_309 = arith.constant 2 : i32
          %dma_wait3A_310 = arith.constant 2 : i32
          %dma_wait3A_311 = arith.constant 0 : i32
          %dma_wait3A_312 = arith.constant 0 : i32
          %dma_wait3A_313 = tpu.memref_slice %arg6[%dma_wait3A_309, %dma_wait3A_311, %dma_wait3A_312] : memref<4x128x64xf32, #tpu.memory_space<vmem>> -> memref<1x128x64xf32, #tpu.memory_space<vmem>>
          %dma_wait3A_314 = tpu.memref_squeeze %dma_wait3A_313 : memref<1x128x64xf32, #tpu.memory_space<vmem>> -> memref<128x64xf32, #tpu.memory_space<vmem>>
          %dma_wait3A_315 = arith.constant 0 : i32
          %dma_wait3A_316 = tpu.memref_slice %arg4[%mul3A_2, %dma_wait3A_315] : memref<819200x128xf32, #tpu.memory_space<hbm>> -> memref<128x64xf32, #tpu.memory_space<hbm>>
          %dma_wait3A_317 = tpu.memref_slice %arg8[%dma_wait3A_310] : memref<4x!tpu.dma_semaphore, #tpu.memory_space<semaphore_mem>> -> memref<1x!tpu.dma_semaphore, #tpu.memory_space<semaphore_mem>>
          %dma_wait3A_318 = tpu.memref_squeeze %dma_wait3A_317 : memref<1x!tpu.dma_semaphore, #tpu.memory_space<semaphore_mem>> -> memref<!tpu.dma_semaphore, #tpu.memory_space<semaphore_mem>>
          %dma_wait3A_319 = arith.constant 0 : i32
          %dma_wait3A_320 = tpu.memref_slice %arg4[%mul3A_2, %dma_wait3A_319] : memref<819200x128xf32, #tpu.memory_space<hbm>> -> memref<128x64xf32, #tpu.memory_space<hbm>>
          %dma_wait3A_321 = arith.constant 0 : i32
          %dma_wait3A_322 = arith.constant 0 : i32
          %dma_wait3A_323 = tpu.memref_slice %arg6[%dma_wait3A_309, %dma_wait3A_321, %dma_wait3A_322] : memref<4x128x64xf32, #tpu.memory_space<vmem>> -> memref<1x128x64xf32, #tpu.memory_space<vmem>>
          %dma_wait3A_324 = tpu.memref_squeeze %dma_wait3A_323 : memref<1x128x64xf32, #tpu.memory_space<vmem>> -> memref<128x64xf32, #tpu.memory_space<vmem>>
          tpu.wait_dma2 semaphore(%dma_wait3A_318 : memref<!tpu.dma_semaphore, #tpu.memory_space<semaphore_mem>>) src(%dma_wait3A_324 : memref<128x64xf32, #tpu.memory_space<vmem>>) dst(%dma_wait3A_320 : memref<128x64xf32, #tpu.memory_space<hbm>>)
        } else {
        }
        %add3A_293 = arith.constant 3 : i32
        %add3A_294 = arith.addi %add3A_245, %add3A_293 : i32
        %dma_start3A_295 = arith.constant 2 : i32
        %dma_start3A_296 = arith.constant 2 : i32
        %dma_start3A_297 = arith.constant 0 : i32
        %dma_start3A_298 = arith.constant 0 : i32
        %dma_start3A_299 = tpu.memref_slice %arg6[%dma_start3A_295, %dma_start3A_297, %dma_start3A_298] : memref<4x128x64xf32, #tpu.memory_space<vmem>> -> memref<1x128x64xf32, #tpu.memory_space<vmem>>
        %dma_start3A_300 = tpu.memref_squeeze %dma_start3A_299 : memref<1x128x64xf32, #tpu.memory_space<vmem>> -> memref<128x64xf32, #tpu.memory_space<vmem>>
        %dma_start3A_301 = arith.constant 0 : i32
        %dma_start3A_302 = tpu.memref_slice %arg5[%add3A_294, %dma_start3A_301] : memref<200x128xi32, #tpu.memory_space<vmem>> -> memref<1x128xi32, #tpu.memory_space<vmem>>
        %dma_start3A_303 = tpu.memref_squeeze %dma_start3A_302 : memref<1x128xi32, #tpu.memory_space<vmem>> -> memref<128xi32, #tpu.memory_space<vmem>>
        %dma_start3A_304 = arith.constant 0 : i32
        %dma_start3A_305 = arith.constant 0 : i32
        %dma_start3A_306 = tpu.memref_slice %arg3[%dma_start3A_304, %dma_start3A_305] : memref<1000000x64xf32, #tpu.memory_space<hbm>> -> memref<1000000x64xf32, #tpu.memory_space<hbm>>
        %dma_start3A_307 = tpu.memref_slice %arg7[%dma_start3A_296] : memref<4x!tpu.dma_semaphore, #tpu.memory_space<semaphore_mem>> -> memref<1x!tpu.dma_semaphore, #tpu.memory_space<semaphore_mem>>
        %dma_start3A_308 = tpu.memref_squeeze %dma_start3A_307 : memref<1x!tpu.dma_semaphore, #tpu.memory_space<semaphore_mem>> -> memref<!tpu.dma_semaphore, #tpu.memory_space<semaphore_mem>>
        tpu.enqueue_indirect_dma source(%dma_start3A_306 : memref<1000000x64xf32, #tpu.memory_space<hbm>>) target(%dma_start3A_300 : memref<128x64xf32, #tpu.memory_space<vmem>>) offsets(%dma_start3A_303 : memref<128xi32, #tpu.memory_space<vmem>>) semaphore(%dma_start3A_308 : memref<!tpu.dma_semaphore, #tpu.memory_space<semaphore_mem>>)
      } else {
      }
      %dma_wait3A_253 = arith.constant 0 : i32
      %dma_wait3A_254 = arith.constant 3 : i32
      %dma_wait3A_255 = arith.constant 3 : i32
      %dma_wait3A_256 = arith.constant 0 : i32
      %dma_wait3A_257 = arith.constant 0 : i32
      %dma_wait3A_258 = tpu.memref_slice %arg6[%dma_wait3A_254, %dma_wait3A_256, %dma_wait3A_257] : memref<4x128x64xf32, #tpu.memory_space<vmem>> -> memref<1x128x64xf32, #tpu.memory_space<vmem>>
      %dma_wait3A_259 = tpu.memref_squeeze %dma_wait3A_258 : memref<1x128x64xf32, #tpu.memory_space<vmem>> -> memref<128x64xf32, #tpu.memory_space<vmem>>
      %dma_wait3A_260 = arith.constant 0 : i32
      %dma_wait3A_261 = tpu.memref_slice %arg5[%dma_wait3A_253, %dma_wait3A_260] : memref<200x128xi32, #tpu.memory_space<vmem>> -> memref<1x128xi32, #tpu.memory_space<vmem>>
      %dma_wait3A_262 = tpu.memref_squeeze %dma_wait3A_261 : memref<1x128xi32, #tpu.memory_space<vmem>> -> memref<128xi32, #tpu.memory_space<vmem>>
      %dma_wait3A_263 = arith.constant 0 : i32
      %dma_wait3A_264 = arith.constant 0 : i32
      %dma_wait3A_265 = tpu.memref_slice %arg3[%dma_wait3A_263, %dma_wait3A_264] : memref<1000000x64xf32, #tpu.memory_space<hbm>> -> memref<1000000x64xf32, #tpu.memory_space<hbm>>
      %dma_wait3A_266 = tpu.memref_slice %arg7[%dma_wait3A_255] : memref<4x!tpu.dma_semaphore, #tpu.memory_space<semaphore_mem>> -> memref<1x!tpu.dma_semaphore, #tpu.memory_space<semaphore_mem>>
      %dma_wait3A_267 = tpu.memref_squeeze %dma_wait3A_266 : memref<1x!tpu.dma_semaphore, #tpu.memory_space<semaphore_mem>> -> memref<!tpu.dma_semaphore, #tpu.memory_space<semaphore_mem>>
      tpu.wait_indirect_dma semaphore(%dma_wait3A_267 : memref<!tpu.dma_semaphore, #tpu.memory_space<semaphore_mem>>) src(%dma_wait3A_265 : memref<1000000x64xf32, #tpu.memory_space<hbm>>) dst(%dma_wait3A_259 : memref<128x64xf32, #tpu.memory_space<vmem>>)
      %mul3A_268 = arith.constant 4096 : i32
      %mul3A_269 = arith.muli %add3A_245, %mul3A_268 : i32
      %add3A_270 = arith.addi %mul3A_269, %mul3A_2 : i32
      %dma_start3A_271 = arith.constant 3 : i32
      %dma_start3A_272 = arith.constant 3 : i32
      %dma_start3A_273 = arith.constant 0 : i32
      %dma_start3A_274 = arith.constant 0 : i32
      %dma_start3A_275 = tpu.memref_slice %arg6[%dma_start3A_271, %dma_start3A_273, %dma_start3A_274] : memref<4x128x64xf32, #tpu.memory_space<vmem>> -> memref<1x128x64xf32, #tpu.memory_space<vmem>>
      %dma_start3A_276 = tpu.memref_squeeze %dma_start3A_275 : memref<1x128x64xf32, #tpu.memory_space<vmem>> -> memref<128x64xf32, #tpu.memory_space<vmem>>
      %dma_start3A_277 = arith.constant 0 : i32
      %dma_start3A_278 = tpu.memref_slice %arg4[%add3A_270, %dma_start3A_277] : memref<819200x128xf32, #tpu.memory_space<hbm>> -> memref<128x64xf32, #tpu.memory_space<hbm>>
      %dma_start3A_279 = tpu.memref_slice %arg8[%dma_start3A_272] : memref<4x!tpu.dma_semaphore, #tpu.memory_space<semaphore_mem>> -> memref<1x!tpu.dma_semaphore, #tpu.memory_space<semaphore_mem>>
      %dma_start3A_280 = tpu.memref_squeeze %dma_start3A_279 : memref<1x!tpu.dma_semaphore, #tpu.memory_space<semaphore_mem>> -> memref<!tpu.dma_semaphore, #tpu.memory_space<semaphore_mem>>
      %dma_start3A_281 = arith.constant 0 : i32
      %dma_start3A_282 = tpu.memref_slice %arg4[%add3A_270, %dma_start3A_281] : memref<819200x128xf32, #tpu.memory_space<hbm>> -> memref<128x64xf32, #tpu.memory_space<hbm>>
      %dma_start3A_283 = arith.constant 0 : i32
      %dma_start3A_284 = arith.constant 0 : i32
      %dma_start3A_285 = tpu.memref_slice %arg6[%dma_start3A_271, %dma_start3A_283, %dma_start3A_284] : memref<4x128x64xf32, #tpu.memory_space<vmem>> -> memref<1x128x64xf32, #tpu.memory_space<vmem>>
      %dma_start3A_286 = tpu.memref_squeeze %dma_start3A_285 : memref<1x128x64xf32, #tpu.memory_space<vmem>> -> memref<128x64xf32, #tpu.memory_space<vmem>>
      tpu.enqueue_dma source(%dma_start3A_286 : memref<128x64xf32, #tpu.memory_space<vmem>>) target(%dma_start3A_282 : memref<128x64xf32, #tpu.memory_space<hbm>>) target_semaphore(%dma_start3A_280 : memref<!tpu.dma_semaphore, #tpu.memory_space<semaphore_mem>>)
    }
    %scan3A_51 = arith.constant 50 : i32
    %dma_wait3A = arith.constant 3 : i32
    %dma_wait3A_52 = arith.constant 3 : i32
    %dma_wait3A_53 = arith.constant 0 : i32
    %dma_wait3A_54 = arith.constant 0 : i32
    %dma_wait3A_55 = tpu.memref_slice %arg6[%dma_wait3A, %dma_wait3A_53, %dma_wait3A_54] : memref<4x128x64xf32, #tpu.memory_space<vmem>> -> memref<1x128x64xf32, #tpu.memory_space<vmem>>
    %dma_wait3A_56 = tpu.memref_squeeze %dma_wait3A_55 : memref<1x128x64xf32, #tpu.memory_space<vmem>> -> memref<128x64xf32, #tpu.memory_space<vmem>>
    %dma_wait3A_57 = arith.constant 0 : i32
    %dma_wait3A_58 = tpu.memref_slice %arg4[%mul3A_2, %dma_wait3A_57] : memref<819200x128xf32, #tpu.memory_space<hbm>> -> memref<128x64xf32, #tpu.memory_space<hbm>>
    %dma_wait3A_59 = tpu.memref_slice %arg8[%dma_wait3A_52] : memref<4x!tpu.dma_semaphore, #tpu.memory_space<semaphore_mem>> -> memref<1x!tpu.dma_semaphore, #tpu.memory_space<semaphore_mem>>
    %dma_wait3A_60 = tpu.memref_squeeze %dma_wait3A_59 : memref<1x!tpu.dma_semaphore, #tpu.memory_space<semaphore_mem>> -> memref<!tpu.dma_semaphore, #tpu.memory_space<semaphore_mem>>
    %dma_wait3A_61 = arith.constant 0 : i32
    %dma_wait3A_62 = tpu.memref_slice %arg4[%mul3A_2, %dma_wait3A_61] : memref<819200x128xf32, #tpu.memory_space<hbm>> -> memref<128x64xf32, #tpu.memory_space<hbm>>
    %dma_wait3A_63 = arith.constant 0 : i32
    %dma_wait3A_64 = arith.constant 0 : i32
    %dma_wait3A_65 = tpu.memref_slice %arg6[%dma_wait3A, %dma_wait3A_63, %dma_wait3A_64] : memref<4x128x64xf32, #tpu.memory_space<vmem>> -> memref<1x128x64xf32, #tpu.memory_space<vmem>>
    %dma_wait3A_66 = tpu.memref_squeeze %dma_wait3A_65 : memref<1x128x64xf32, #tpu.memory_space<vmem>> -> memref<128x64xf32, #tpu.memory_space<vmem>>
    tpu.wait_dma2 semaphore(%dma_wait3A_60 : memref<!tpu.dma_semaphore, #tpu.memory_space<semaphore_mem>>) src(%dma_wait3A_66 : memref<128x64xf32, #tpu.memory_space<vmem>>) dst(%dma_wait3A_62 : memref<128x64xf32, #tpu.memory_space<hbm>>)
    %dma_wait3A_67 = arith.constant 2 : i32
    %dma_wait3A_68 = arith.constant 2 : i32
    %dma_wait3A_69 = arith.constant 0 : i32
    %dma_wait3A_70 = arith.constant 0 : i32
    %dma_wait3A_71 = tpu.memref_slice %arg6[%dma_wait3A_67, %dma_wait3A_69, %dma_wait3A_70] : memref<4x128x64xf32, #tpu.memory_space<vmem>> -> memref<1x128x64xf32, #tpu.memory_space<vmem>>
    %dma_wait3A_72 = tpu.memref_squeeze %dma_wait3A_71 : memref<1x128x64xf32, #tpu.memory_space<vmem>> -> memref<128x64xf32, #tpu.memory_space<vmem>>
    %dma_wait3A_73 = arith.constant 0 : i32
    %dma_wait3A_74 = tpu.memref_slice %arg4[%mul3A_2, %dma_wait3A_73] : memref<819200x128xf32, #tpu.memory_space<hbm>> -> memref<128x64xf32, #tpu.memory_space<hbm>>
    %dma_wait3A_75 = tpu.memref_slice %arg8[%dma_wait3A_68] : memref<4x!tpu.dma_semaphore, #tpu.memory_space<semaphore_mem>> -> memref<1x!tpu.dma_semaphore, #tpu.memory_space<semaphore_mem>>
    %dma_wait3A_76 = tpu.memref_squeeze %dma_wait3A_75 : memref<1x!tpu.dma_semaphore, #tpu.memory_space<semaphore_mem>> -> memref<!tpu.dma_semaphore, #tpu.memory_space<semaphore_mem>>
    %dma_wait3A_77 = arith.constant 0 : i32
    %dma_wait3A_78 = tpu.memref_slice %arg4[%mul3A_2, %dma_wait3A_77] : memref<819200x128xf32, #tpu.memory_space<hbm>> -> memref<128x64xf32, #tpu.memory_space<hbm>>
    %dma_wait3A_79 = arith.constant 0 : i32
    %dma_wait3A_80 = arith.constant 0 : i32
    %dma_wait3A_81 = tpu.memref_slice %arg6[%dma_wait3A_67, %dma_wait3A_79, %dma_wait3A_80] : memref<4x128x64xf32, #tpu.memory_space<vmem>> -> memref<1x128x64xf32, #tpu.memory_space<vmem>>
    %dma_wait3A_82 = tpu.memref_squeeze %dma_wait3A_81 : memref<1x128x64xf32, #tpu.memory_space<vmem>> -> memref<128x64xf32, #tpu.memory_space<vmem>>
    tpu.wait_dma2 semaphore(%dma_wait3A_76 : memref<!tpu.dma_semaphore, #tpu.memory_space<semaphore_mem>>) src(%dma_wait3A_82 : memref<128x64xf32, #tpu.memory_space<vmem>>) dst(%dma_wait3A_78 : memref<128x64xf32, #tpu.memory_space<hbm>>)
    %dma_wait3A_83 = arith.constant 1 : i32
    %dma_wait3A_84 = arith.constant 1 : i32
    %dma_wait3A_85 = arith.constant 0 : i32
    %dma_wait3A_86 = arith.constant 0 : i32
    %dma_wait3A_87 = tpu.memref_slice %arg6[%dma_wait3A_83, %dma_wait3A_85, %dma_wait3A_86] : memref<4x128x64xf32, #tpu.memory_space<vmem>> -> memref<1x128x64xf32, #tpu.memory_space<vmem>>
    %dma_wait3A_88 = tpu.memref_squeeze %dma_wait3A_87 : memref<1x128x64xf32, #tpu.memory_space<vmem>> -> memref<128x64xf32, #tpu.memory_space<vmem>>
    %dma_wait3A_89 = arith.constant 0 : i32
    %dma_wait3A_90 = tpu.memref_slice %arg4[%mul3A_2, %dma_wait3A_89] : memref<819200x128xf32, #tpu.memory_space<hbm>> -> memref<128x64xf32, #tpu.memory_space<hbm>>
    %dma_wait3A_91 = tpu.memref_slice %arg8[%dma_wait3A_84] : memref<4x!tpu.dma_semaphore, #tpu.memory_space<semaphore_mem>> -> memref<1x!tpu.dma_semaphore, #tpu.memory_space<semaphore_mem>>
    %dma_wait3A_92 = tpu.memref_squeeze %dma_wait3A_91 : memref<1x!tpu.dma_semaphore, #tpu.memory_space<semaphore_mem>> -> memref<!tpu.dma_semaphore, #tpu.memory_space<semaphore_mem>>
    %dma_wait3A_93 = arith.constant 0 : i32
    %dma_wait3A_94 = tpu.memref_slice %arg4[%mul3A_2, %dma_wait3A_93] : memref<819200x128xf32, #tpu.memory_space<hbm>> -> memref<128x64xf32, #tpu.memory_space<hbm>>
    %dma_wait3A_95 = arith.constant 0 : i32
    %dma_wait3A_96 = arith.constant 0 : i32
    %dma_wait3A_97 = tpu.memref_slice %arg6[%dma_wait3A_83, %dma_wait3A_95, %dma_wait3A_96] : memref<4x128x64xf32, #tpu.memory_space<vmem>> -> memref<1x128x64xf32, #tpu.memory_space<vmem>>
    %dma_wait3A_98 = tpu.memref_squeeze %dma_wait3A_97 : memref<1x128x64xf32, #tpu.memory_space<vmem>> -> memref<128x64xf32, #tpu.memory_space<vmem>>
    tpu.wait_dma2 semaphore(%dma_wait3A_92 : memref<!tpu.dma_semaphore, #tpu.memory_space<semaphore_mem>>) src(%dma_wait3A_98 : memref<128x64xf32, #tpu.memory_space<vmem>>) dst(%dma_wait3A_94 : memref<128x64xf32, #tpu.memory_space<hbm>>)
    %dma_wait3A_99 = arith.constant 0 : i32
    %dma_wait3A_100 = arith.constant 0 : i32
    %dma_wait3A_101 = arith.constant 0 : i32
    %dma_wait3A_102 = arith.constant 0 : i32
    %dma_wait3A_103 = tpu.memref_slice %arg6[%dma_wait3A_99, %dma_wait3A_101, %dma_wait3A_102] : memref<4x128x64xf32, #tpu.memory_space<vmem>> -> memref<1x128x64xf32, #tpu.memory_space<vmem>>
    %dma_wait3A_104 = tpu.memref_squeeze %dma_wait3A_103 : memref<1x128x64xf32, #tpu.memory_space<vmem>> -> memref<128x64xf32, #tpu.memory_space<vmem>>
    %dma_wait3A_105 = arith.constant 0 : i32
    %dma_wait3A_106 = tpu.memref_slice %arg4[%mul3A_2, %dma_wait3A_105] : memref<819200x128xf32, #tpu.memory_space<hbm>> -> memref<128x64xf32, #tpu.memory_space<hbm>>
    %dma_wait3A_107 = tpu.memref_slice %arg8[%dma_wait3A_100] : memref<4x!tpu.dma_semaphore, #tpu.memory_space<semaphore_mem>> -> memref<1x!tpu.dma_semaphore, #tpu.memory_space<semaphore_mem>>
    %dma_wait3A_108 = tpu.memref_squeeze %dma_wait3A_107 : memref<1x!tpu.dma_semaphore, #tpu.memory_space<semaphore_mem>> -> memref<!tpu.dma_semaphore, #tpu.memory_space<semaphore_mem>>
    %dma_wait3A_109 = arith.constant 0 : i32
    %dma_wait3A_110 = tpu.memref_slice %arg4[%mul3A_2, %dma_wait3A_109] : memref<819200x128xf32, #tpu.memory_space<hbm>> -> memref<128x64xf32, #tpu.memory_space<hbm>>
    %dma_wait3A_111 = arith.constant 0 : i32
    %dma_wait3A_112 = arith.constant 0 : i32
    %dma_wait3A_113 = tpu.memref_slice %arg6[%dma_wait3A_99, %dma_wait3A_111, %dma_wait3A_112] : memref<4x128x64xf32, #tpu.memory_space<vmem>> -> memref<1x128x64xf32, #tpu.memory_space<vmem>>
    %dma_wait3A_114 = tpu.memref_squeeze %dma_wait3A_113 : memref<1x128x64xf32, #tpu.memory_space<vmem>> -> memref<128x64xf32, #tpu.memory_space<vmem>>
    tpu.wait_dma2 semaphore(%dma_wait3A_108 : memref<!tpu.dma_semaphore, #tpu.memory_space<semaphore_mem>>) src(%dma_wait3A_114 : memref<128x64xf32, #tpu.memory_space<vmem>>) dst(%dma_wait3A_110 : memref<128x64xf32, #tpu.memory_space<hbm>>)
    return
  }
}

</mosaic_0001>

<sc_bundles>
// kernel: kernel.3.cloned.1.call-start
scs
__scs_entry_jumppad:
0x0: {  	(pc) =	sbr.rel $0x88, $3  }
0x1: {  	(tag) =	ssettag $0x0;
	lr =	simm.s32 $0x1  }
0x2: {  	[smem:$0x3F9F] =	sst lr;
	_ =	strace $0xD0000000  }
0x3: {  	_ = 	snop  }
0x4: {  	_ = 	snop  }
0x5: {  	_ = 	snop  }
0x6: {  	_ = 	snop  }
0x7: {  	_ = 	snop  }
__scs_overlays_trampoline_lowered:
0x8: {  	[smem:$0x3FAE] =	sst s0  }
0x9: {  	[smem:$0x3FAF] =	sst s1  }
0xa: {  	[smem:$0x3FB0] =	sst s2  }
0xb: {  	[smem:$0x3FB1] =	sst s3  }
0xc: {  	[smem:$0x3FB2] =	sst s4  }
0xd: {  	[smem:$0x3FB3] =	sst s5  }
0xe: {  	[smem:$0x3FB4] =	sst s6  }
0xf: {  	[smem:$0x3FB5] =	sst s7  }
0x10: {  	[smem:$0x3FB6] =	sst s8  }
0x11: {  	[smem:$0x3FB7] =	sst s9;
	s0 =	simm.s32 @!p0 $0x0  }
0x12: {  	s1 =	sld [smem:$0x3F9D];
	s0 =	simm.s32 @p0 $0x1  }
0x13: {  	[smem:$0x3FB8] =	sst s0;
	s0 =	simm.s32 @!p1 $0x0  }
0x14: {  	s2 =	sld [smem:$0x3F9C];
	s0 =	simm.s32 @p1 $0x1  }
0x15: {  	[smem:$0x3FB9] =	sst s0;
	s0 =	simm.s32 @!p2 $0x0  }
0x16: {  	s3 =	sld [smem:$0x3FDB];
	s0 =	simm.s32 @p2 $0x1  }
0x17: {  	s4 =	simm.s32 $0x1BF5;
	[smem:$0x3FBB] =	sst s0  }
0x18: {  	s0 =	sld [smem:$0x3F9E];
	_ =	swait.ge [sflag:s4], $0x0  }
0x19: {  	s7 =	sld [smem:$0x3F9F]  }
0x1a: {  	s8 =	sadd.s32 $0xFFFFE003, lr  }
0x1b: {  	s9 =	sadd.s32 $0xFFFFFEF7, lr;
	s5 =	simm.s32 $0xFFFFFFFF;
	p2 =	slt.u32 s8, $0xFFFFF086  }
0x1c: {  	p1 =	slt.u32 s9, $0xF7A;
	s5 =	simm.s32 @!p2 $0x0  }
0x1d: {  	s5 =	simm.s32 @p1 $0x1;
	p0 =	seq.s32 s7, s2  }
0x1e: {  	s7 =	smul.u32 @!p0 $0xF7A, s2;
	p2 =	seq.s32 @!p0 s5, $0x0  }
0x1f: {  	s9 =	smul.u32 $0xF7A, s1;
	s8 =	simm.s32 @!p0 $0x1BF5;
	p2 =	por !p2, p0  }
0x20: {  	[sflag:s8] =	ssyncset.s32 @!p0 $0xFFFFF086;
	s6 =	sadd.s32 @!p0 s3, s7;
	s7 =	simm.s32 @!p0 $0x108  }
0x21: {  	s3 =	sadd.s32 s3, s9;
	s6 =	sadd.s32 @!p0 $0x88, s6;
	s7 =	simm.s32 @p2 $0x1082  }
0x22: {  	[simem:s7], [sflag:s8] =	dma.local @!p0 [hbm:s6], $0xF7A  }
0x23: {  	s9 =	sor.u32 $0xD0000000, s2;
	s6 =	simm.s32 $0x108;
	_ =	swait.ge @!p0 [sflag:s8], $0x0  }
0x24: {  	s3 =	sadd.s32 $0x88, s3;
	s6 =	simm.s32 @!p1 $0x1082;
	[sflag:s4] =	ssyncset.s32 $0xFFFFF086  }
0x25: {  	[simem:s6], [sflag:s4] =	dma.local [hbm:s3], $0xF7A  }
0x26: {  	[smem:$0x3F9F] =	sst s1;
	(tag) =	ssettag s2;
	_ =	strace s9  }
0x27: {  	s1 =	sld [smem:$0x3FAF]  }
0x28: {  	s2 =	sld [smem:$0x3FB0]  }
0x29: {  	s4 =	sld [smem:$0x3FB2]  }
0x2a: {  	p0 =	seq.s32 s5, $0x0;
	s5 =	sld [smem:$0x3FB3]  }
0x2b: {  	s6 =	sld [smem:$0x3FB4]  }
0x2c: {  	s7 =	sld [smem:$0x3FB5]  }
0x2d: {  	s3 =	simm.s32 $0x108;
	s8 =	sld [smem:$0x3FB6]  }
0x2e: {  	s3 =	simm.s32 @!p0 $0x1082;
	s9 =	sld [smem:$0x3FB7]  }
0x2f: {  	lr =	sadd.s32 s0, s3;
	s0 =	sld [smem:$0x3FAE]  }
0x30: {  	s3 =	sld [smem:$0x3FB1]  }
0x31: {  	[smem:$0x3FBA] =	sst s10  }
0x32: {  	s10 =	sld [smem:$0x3FB8];
	_ =	sdelay $0x3  }
0x33: {  	p0 =	seq.s32 s10, $0x1;
	s10 =	sld [smem:$0x3FBA];
	_ =	sdelay $0x3  }
0x34: {  	[smem:$0x3FBA] =	sst s10  }
0x35: {  	s10 =	sld [smem:$0x3FB9];
	_ =	sdelay $0x3  }
0x36: {  	p1 =	seq.s32 s10, $0x1;
	s10 =	sld [smem:$0x3FBA];
	_ =	sdelay $0x3  }
0x37: {  	[smem:$0x3FBA] =	sst s10  }
0x38: {  	s10 =	sld [smem:$0x3FBB]  }
0x39: {  	_ = 	snop;
	(pc) =	sbr.ind lr, $3  }
0x3a: {  	_ = 	snop  }
0x3b: {  	_ = 	snop  }
0x3c: {  	p2 =	seq.s32 s10, $0x1;
	s10 =	sld [smem:$0x3FBA]  }
0x3d: {  	_ =	shalt  }
0x3e: {  	_ =	shalt  }
0x3f: {  	_ =	shalt  }
0x40: {  	_ =	shalt  }
0x41: {  	_ =	shalt  }
0x42: {  	_ =	shalt  }
0x43: {  	_ =	shalt  }
0x44: {  	_ =	shalt  }
0x45: {  	_ =	shalt  }
0x46: {  	_ =	shalt  }
0x47: {  	_ =	shalt  }
0x48: {  	_ =	shalt  }
0x49: {  	_ =	shalt  }
0x4a: {  	_ =	shalt  }
0x4b: {  	_ =	shalt  }
0x4c: {  	_ =	shalt  }
0x4d: {  	_ =	shalt  }
0x4e: {  	_ =	shalt  }
0x4f: {  	_ =	shalt  }
0x50: {  	_ =	shalt  }
0x51: {  	_ =	shalt  }
0x52: {  	_ =	shalt  }
0x53: {  	_ =	shalt  }
0x54: {  	_ =	shalt  }
0x55: {  	_ =	shalt  }
0x56: {  	_ =	shalt  }
0x57: {  	_ =	shalt  }
0x58: {  	_ =	shalt  }
0x59: {  	_ =	shalt  }
0x5a: {  	_ =	shalt  }
0x5b: {  	_ =	shalt  }
0x5c: {  	_ =	shalt  }
0x5d: {  	_ =	shalt  }
0x5e: {  	_ =	shalt  }
0x5f: {  	_ =	shalt  }
0x60: {  	_ =	shalt  }
0x61: {  	_ =	shalt  }
0x62: {  	_ =	shalt  }
0x63: {  	_ =	shalt  }
0x64: {  	_ =	shalt  }
0x65: {  	_ =	shalt  }
0x66: {  	_ =	shalt  }
0x67: {  	_ =	shalt  }
0x68: {  	_ =	shalt  }
0x69: {  	_ =	shalt  }
0x6a: {  	_ =	shalt  }
0x6b: {  	_ =	shalt  }
0x6c: {  	_ =	shalt  }
0x6d: {  	_ =	shalt  }
0x6e: {  	_ =	shalt  }
0x6f: {  	_ =	shalt  }
0x70: {  	_ =	shalt  }
0x71: {  	_ =	shalt  }
0x72: {  	_ =	shalt  }
0x73: {  	_ =	shalt  }
0x74: {  	_ =	shalt  }
0x75: {  	_ =	shalt  }
0x76: {  	_ =	shalt  }
0x77: {  	_ =	shalt  }
0x78: {  	_ =	shalt  }
0x79: {  	_ =	shalt  }
0x7a: {  	_ =	shalt  }
0x7b: {  	_ =	shalt  }
0x7c: {  	_ =	shalt  }
0x7d: {  	_ =	shalt  }
0x7e: {  	_ =	shalt  }
0x7f: {  	_ =	shalt  }
0x80: {  	_ =	shalt  }
0x81: {  	_ =	shalt  }
0x82: {  	_ =	shalt  }
0x83: {  	_ =	shalt  }
0x84: {  	_ =	shalt  }
0x85: {  	_ =	shalt  }
0x86: {  	_ =	shalt  }
0x87: {  	_ =	shalt  }
.Lfunc_end0:
.L_simem_size_0:
called_computation.1_lowered:
.L_overlay_start_0:
0x88: {  	s2 =	sld [smem:$0x3FD9]  }
0x89: {  	s3 =	sld [smem:$0x3FFE];
	_ =	sdelay $0x1  }
0x8a: {  	s1 =	srdreg.scid  }
0x8b: {  	s0 =	sand.u32 $0x1, s1  }
0x8c: {  	s17 =	sshll.u32 s0, $0xA;
	s2 =	sadd.s32 s3, s2  }
0x8d: {  	s2 =	sadd.s32 s2, s17  }
0x8e: {  	[smem:$0x3FC6] =	sst s2  }
0x8f: {  	_ = 	snop  }
0x90: {  	s2 =	sld [smem:$0x3FC9];
	(tm) =	ssettm $0x1  }
0x91: {  	s18 =	sld [smem:$0x3FFB];
	_ =	sdelay $0x3  }
0x92: {  	_ =	strace s18  }
0x93: {  	s3 =	sld [smem:$0x3FFC];
	_ =	sdelay $0x3  }
0x94: {  	_ =	strace s3  }
0x95: {  	s3 =	sld [smem:$0x3FFD];
	_ =	sdelay $0x3  }
0x96: {  	_ =	strace s3  }
0x97: {  	_ =	strace $0x8FFFFFFF  }
0x98: {  	s19 =	sld [smem:$0x3FDB];
	_ =	sdelay $0x1  }
0x99: {  	s4 =	simm.s32 $_scs_section_size  }
0x9a: {  	s5 =	simm.s32 $_size__tile_overlayer_lowered;
	s6 =	simm.s32 $_tile_overlayer_lowered  }
0x9b: {  	s22 =	simm.s32 $0x1BFF;
	s21 =	sshll.u32 s6, $0x1;
	s3 =	sadd.s32 s4, s19  }
0x9c: {  	s7 =	simm.s32 $0x0;
	s20 =	sshll.u32 s5, $0x1;
	s5 =	sadd.s32 s21, s3  }
0x9d: {  	[timem:s7], [sflag:s22] =	dma.local [hbm:s5], s20  }
0x9e: {  	_ =	swait.ge [sflag:s22], s20  }
0x9f: {  	s4 =	ssub.s32 $0x0, s20;
	[sflag:s22] =	ssyncset.done $0x0  }
0xa0: {  	[sflag:s22] =	ssyncadd.s32 s4;
	_ =	sdelay $0x1  }
0xa1: {  	s23 =	simm.s32 $0x1B8B  }
0xa2: {  	_ =	swait.ge [sflag:s23], $0x1  }
0xa3: {  	[sflag:s23] =	ssyncset.done $0x0  }
0xa4: {  	s25 =	simm.s32 $0x1B8E;
	s24 =	sld [smem:$0x3FFE];
	[sflag:s23] =	ssyncadd.s32 $0xFFFFFFFF  }
0xa5: {  	s26 =	simm.s32 $execute0_lowered;
	[smem:$0x3FD2] =	sst s25  }
0xa6: {  	s5 =	sshll.u32 s26, $0x1;
	_ =	strace $0x80000046;
	[dreg:$0x1] =	wrdreg $0xFFFFFFFF  }
0xa7: {  	s28 =	simm.s32 $_size_execute0_lowered;
	s3 =	sadd.s32 s3, s5;
	[dreg:$0x0] =	wrdreg $0x0  }
0xa8: {  	s5 =	sshll.u32 s28, $0x1;
	[dreg:$0x2] =	wrdreg s3  }
0xa9: {  	[dreg:$0x3] =	wrdreg s5  }
0xaa: {  	[dreg:$0x4] =	wrdreg $0xC0  }
0xab: {  	_ =	task [dreg:s7], $0x5FFFF  }
0xac: {  	[dreg:$0x1] =	wrdreg $0xFFFFFFFF  }
0xad: {  	[dreg:$0x0] =	wrdreg $0x60  }
0xae: {  	[dreg:$0x2] =	wrdreg s2  }
0xaf: {  	[dreg:$0x3] =	wrdreg s24  }
0xb0: {  	[dreg:$0x4] =	wrdreg $0x9  }
0xb1: {  	_ =	task.clear_ibuf [dreg:s7], $0x5FFFF;
	_ =	strace $0x90000046  }
0xb2: {  	s29 =	simm.s32 $0x9;
	_ =	strace $0x80000048  }
0xb3: {  	_ =	swait.ge [sflag:s29], $0x1  }
0xb4: {  	[sflag:s29] =	ssyncadd.s32 $0xFFFFFFFF  }
0xb5: {  	_ =	strace $0x90000048  }
0xb6: {  	_ =	sfence  }
0xb7: {  	s30 =	sld [smem:$0x0];
	_ =	sdelay $0x2  }
0xb8: {  	s31 =	sshll.u32 s1, $0xD;
	s1 =	sshrl.u32 s1, $0x2  }
0xb9: {  	s3 =	sand.u32 $0x4000, s31;
	s1 =	sadd.s32 s1, s30  }
0xba: {  	s0 =	sor.u32 s3, s0;
	s1 =	sshll.u32 s1, $0x11  }
0xbb: {  	s0 =	sor.u32 s1, s0  }
0xbc: {  	s0 =	sadd.s32 $0x8F2B, s0  }
0xbd: {  	[sflag:s0] =	ssyncadd.remote.s32 $0x1  }
0xbe: {  	_ =	sfence.sel $0xFFFF  }
0xbf: {  	[dreg:$0x0] =	wrdreg $0xFFFFFFFF;
	(pc) =	sbr.abs _section_cstart, $3  }
0xc0: {  	[dreg:$0x1] =	wrdreg $0xFFFFFFFF  }
0xc1: {  	_ =	task.clear_ibuf [dreg:s7], $0x2FFFF;
	_ =	strace $0x9FFFFFFF  }
0xc2: {  	(tm) =	ssettm $0x7FFFFFFF  }
0xc3: {  	_ =	shalt  }
tec
execute0_lowered:
.L_overlay_start_1:
0x0: {  	(tag) =	ssettag $0x1  }
0x1: {  	s4 =	rddreg [dreg:$0x0]  }
0x2: {  	s5 =	rddreg [dreg:$0x1];
	s0 =	simm.s32 $0x0;
	s29 =	stileid.u32  }
0x3: {  	s6 =	srdreg.scid;
	s13 =	simm.s32 $0xA400;
	s14 =	simm.s32 $0xC400  }
0x4: {  	s15 =	simm.s32 $0x1;
	s16 =	simm.s32 $0x40;
	s17 =	simm.s32 $0x3  }
0x5: {  	s18 =	simm.s32 $0x4;
	s19 =	simm.s32 $0x8;
	s20 =	simm.s32 $0x7  }
0x6: {  	s21 =	simm.s32 $0x6;
	s22 =	simm.s32 $0x5;
	s23 =	simm.s32 $0x0  }
0x7: {  	[smem:$0x7FF] =	sst s0;
	s3 =	sadd.s32 $0xF42C00, s5;
	s7 =	sshll.u32 s29, $0xC  }
0x8: {  	s6 =	sand.u32 $0x1, s6;
	s9 =	sshll.u32 s29, $0x8;
	_ =	strace $0x80000047  }
0x9: {  	s8 =	ssub.s32 $0x2, s6;
	s10 =	sshll.u32 s6, $0x7;
	s7 =	sadd.s32 s7, s5  }
0xa: {  	s6 =	sshll.u32 s6, $0xB;
	s30 =	sshrl.u32 s8, $0x1;
	s9 =	sor.u32 s10, s9  }
0xb: {  	s6 =	sadd.s32 s6, s7;
	s7 =	simm.s32 $0x80;
	s10 =	simm.s32 $0x6400  }
0xc: {  	s5 =	ssub.s32 s8, s30;
	s31 =	sshrl.u32 s9, $0x3;
	s6 =	sadd.s32 $0x800, s6  }
0xd: {  	s9 =	simm.s32 $0x9;
	s4 =	sadd.s32 s4, s31;
	s5 =	smax.u32 s5, $0x1  }
.LBB2_1:
0xe: {  	s0 =	simm.s32 $0x0;
	s1 =	simm.s32 $0x1000  }
0xf: {  	[tilespmem:s0], [sflag:$0x9] =	stream.strided.gather [hbm4b:s4+s7], $0x6400, s1, s7, $0x38;
	[tilespmem:$0xE400] =	vst v63  }
0x10: {  	_ =	swait.ge [sflag:s9], $0x6400  }
0x11: {  	[sflag:s9] =	ssyncset.done $0x0  }
0x12: {  	[sflag:s9] =	ssyncadd.s32 $0xFFFF9C00  }
0x13: {  	[tilespmem:s10], [sflag:$0x1] =	stream.indirect.gather [hbm4b:s3+s7], $0x40, s0, s7, $0xb8;
	[tilespmem:$0xE400] =	vst v63  }
0x14: {  	s25 =	simm.s32 $0x8400;
	p0 =	por $0x1, $0x1  }
0x15: {  	[tilespmem:s25], [sflag:$0x2] =	stream.indirect.gather [hbm4b:s3+s7], $0x40, s7, s7, $0xb8;
	[tilespmem:$0xE400] =	vst v63  }
0x16: {  	s26 =	simm.s32 $0x100;
	s24 =	simm.s32 @!p0 $0x8  }
0x17: {  	[tilespmem:s13], [sflag:$0x3] =	stream.indirect.gather [hbm4b:s3+s7], $0x40, s26, s7, $0xb8;
	[tilespmem:$0xE400] =	vst v63  }
0x18: {  	_ =	swait.ge @!p0 [sflag:s24], $0x2000  }
0x19: {  	[sflag:s24] =	ssyncset.done @!p0 $0x0  }
0x1a: {  	s25 =	simm.s32 $0x180;
	[sflag:s24] =	ssyncadd.s32 @!p0 $0xFFFFE000  }
0x1b: {  	[tilespmem:s14], [sflag:$0x4] =	stream.indirect.gather [hbm4b:s3+s7], $0x40, s25, s7, $0xb8;
	[tilespmem:$0xE400] =	vst v63  }
0x1c: {  	_ =	swait.ge [sflag:s15], $0x2000  }
0x1d: {  	p0 =	por $0x0, $0x0;
	[sflag:s15] =	ssyncset.done $0x0  }
0x1e: {  	s24 =	simm.s32 @p0 $0x2;
	[sflag:s15] =	ssyncadd.s32 $0xFFFFE000  }
0x1f: {  	[hbm4b:s6+s16] =	stream.strided.scatter [tilespmem:s10], [sflag:$0x5], $0x2000, s7, s16, $0x38;
	[tilespmem:$0xE400] =	vst v63  }
0x20: {  	s25 =	simm.s32 @p0 $0x80;
	_ =	swait.ge @p0 [sflag:s24], $0x2000  }
0x21: {  	s26 =	simm.s32 @p0 $0x8400;
	s28 =	sadd.s32 @p0 $0x10000, s6;
	[sflag:s24] =	ssyncset.done @p0 $0x0  }
0x22: {  	s29 =	simm.s32 @p0 $0x40;
	[sflag:s24] =	ssyncadd.s32 @p0 $0xFFFFE000;
	s24 =	simm.s32 @!p0 $0x5  }
0x23: {  	[hbm4b:s28+s29] =	stream.strided.scatter @p0 [tilespmem:s26], [sflag:$0x6], $0x2000, s25, s29, $0x38;
	[tilespmem:$0xE400] =	vst v63  }
0x24: {  	_ =	swait.ge @!p0 [sflag:s24], $0x2000  }
0x25: {  	s25 =	simm.s32 @!p0 $0x200;
	s28 =	simm.s32 @!p0 $0x80;
	[sflag:s24] =	ssyncset.done @!p0 $0x0  }
0x26: {  	s26 =	simm.s32 @!p0 $0x6400;
	[sflag:s24] =	ssyncadd.s32 @!p0 $0xFFFFE000;
	s24 =	simm.s32 @!p0 $0x2  }
0x27: {  	[tilespmem:s26], [sflag:$0x1] =	stream.indirect.gather @!p0 [hbm4b:s3+s28], $0x40, s25, s28, $0xb8;
	[tilespmem:$0xE400] =	vst v63  }
0x28: {  	_ =	swait.ge @!p0 [sflag:s24], $0x2000  }
0x29: {  	s29 =	simm.s32 @!p0 $0x40;
	s25 =	simm.s32 @!p0 $0x8400;
	[sflag:s24] =	ssyncset.done @!p0 $0x0  }
0x2a: {  	s26 =	sadd.s32 @!p0 $0x10000, s6;
	[sflag:s24] =	ssyncadd.s32 @!p0 $0xFFFFE000;
	s24 =	simm.s32 @!p0 $0x6  }
0x2b: {  	[hbm4b:s26+s29] =	stream.strided.scatter @!p0 [tilespmem:s25], [sflag:$0x6], $0x2000, s28, s29, $0x38;
	[tilespmem:$0xE400] =	vst v63  }
0x2c: {  	_ =	swait.ge @!p0 [sflag:s24], $0x2000  }
0x2d: {  	[sflag:s24] =	ssyncset.done @!p0 $0x0  }
0x2e: {  	s26 =	simm.s32 @!p0 $0x280;
	[sflag:s24] =	ssyncadd.s32 @!p0 $0xFFFFE000  }
0x2f: {  	[tilespmem:s25], [sflag:$0x2] =	stream.indirect.gather @!p0 [hbm4b:s3+s28], $0x40, s26, s28, $0xb8;
	[tilespmem:$0xE400] =	vst v63  }
0x30: {  	_ =	swait.ge [sflag:s17], $0x2000  }
0x31: {  	[sflag:s17] =	ssyncset.done $0x0  }
0x32: {  	s31 =	sadd.s32 $0x20000, s6;
	s29 =	simm.s32 @!p0 $0x7;
	[sflag:s17] =	ssyncadd.s32 $0xFFFFE000  }
0x33: {  	[hbm4b:s31+s16] =	stream.strided.scatter [tilespmem:s13], [sflag:$0x7], $0x2000, s7, s16, $0x38;
	[tilespmem:$0xE400] =	vst v63  }
0x34: {  	_ =	swait.ge @!p0 [sflag:s29], $0x2000  }
0x35: {  	p1 =	por $0x0, $0x0;
	s30 =	simm.s32 @!p0 $0xA400;
	[sflag:s29] =	ssyncset.done @!p0 $0x0  }
0x36: {  	s24 =	simm.s32 @!p0 $0x300;
	s26 =	simm.s32 $0x800;
	[sflag:s29] =	ssyncadd.s32 @!p0 $0xFFFFE000  }
0x37: {  	[tilespmem:s30], [sflag:$0x3] =	stream.indirect.gather @!p0 [hbm4b:s3+s28], $0x40, s24, s28, $0xb8;
	[tilespmem:$0xE400] =	vst v63  }
0x38: {  	s25 =	sadd.s32 $0x40000, s6;
	s29 =	simm.s32 $0x1000;
	s28 =	sadd.s32 $0x30000, s6  }
0x39: {  	s24 =	sadd.s32 $0x30000, s25;
	s30 =	sadd.s32 $0x40000, s25;
	_ =	swait.ge [sflag:s18], $0x2000  }
.LBB2_2:
0x3a: {  	s31 =	simm.s32 @!p1 $0x8  }
0x3b: {  	[sflag:s18] =	ssyncset.done $0x0;
	s0 =	smov.u32 s29;
	s29 =	sadd.s32 $0x800, s29  }
0x3c: {  	s1 =	sadd.s32 $0x30000, s30;
	p0 =	sne.s32 s29, $0x19000;
	[sflag:s18] =	ssyncadd.s32 $0xFFFFE000  }
0x3d: {  	[hbm4b:s28+s16] =	stream.strided.scatter [tilespmem:s14], [sflag:$0x8], $0x2000, s7, s16, $0x38;
	[tilespmem:$0xE400] =	vst v63  }
0x3e: {  	s8 =	sshra.s32 s26, $0x2;
	s28 =	smov.u32 s24;
	_ =	swait.ge @!p1 [sflag:s31], $0x2000  }
0x3f: {  	s8 =	sadd.s32 $0x180, s8;
	s24 =	smov.u32 s1;
	[sflag:s31] =	ssyncset.done @!p1 $0x0  }
0x40: {  	[sflag:s31] =	ssyncadd.s32 @!p1 $0xFFFFE000  }
0x41: {  	[tilespmem:s14], [sflag:$0x4] =	stream.indirect.gather [hbm4b:s3+s7], $0x40, s8, s7, $0xb8;
	[tilespmem:$0xE400] =	vst v63  }
0x42: {  	_ =	swait.ge [sflag:s15], $0x2000  }
0x43: {  	p1 =	seq.s32 s26, $0x18800;
	[sflag:s15] =	ssyncset.done $0x0  }
0x44: {  	s1 =	simm.s32 @p1 $0x2;
	s8 =	sshra.s32 @!p1 s26, $0x2;
	[sflag:s15] =	ssyncadd.s32 $0xFFFFE000  }
0x45: {  	[hbm4b:s25+s16] =	stream.strided.scatter [tilespmem:s10], [sflag:$0x5], $0x2000, s7, s16, $0x38;
	[tilespmem:$0xE400] =	vst v63  }
0x46: {  	s26 =	simm.s32 @p1 $0x80;
	s31 =	simm.s32 @p1 $0x8400;
	_ =	swait.ge @p1 [sflag:s1], $0x2000  }
0x47: {  	s11 =	sadd.s32 @p1 $0x10000, s25;
	s12 =	simm.s32 @p1 $0x40;
	[sflag:s1] =	ssyncset.done @p1 $0x0  }
0x48: {  	s2 =	sadd.s32 @!p1 $0x200, s8;
	[sflag:s1] =	ssyncadd.s32 @p1 $0xFFFFE000;
	s1 =	simm.s32 @!p1 $0x5  }
0x49: {  	[hbm4b:s11+s12] =	stream.strided.scatter @p1 [tilespmem:s31], [sflag:$0x6], $0x2000, s26, s12, $0x38;
	[tilespmem:$0xE400] =	vst v63  }
0x4a: {  	s11 =	sadd.s32 @!p1 $0x280, s8;
	s8 =	sadd.s32 @!p1 $0x300, s8;
	_ =	swait.ge @!p1 [sflag:s1], $0x2000  }
0x4b: {  	s12 =	simm.s32 @!p1 $0x80;
	s31 =	simm.s32 @!p1 $0x6400;
	[sflag:s1] =	ssyncset.done @!p1 $0x0  }
0x4c: {  	s26 =	smov.u32 s0;
	[sflag:s1] =	ssyncadd.s32 @!p1 $0xFFFFE000;
	s1 =	simm.s32 @!p1 $0x2  }
0x4d: {  	[tilespmem:s31], [sflag:$0x1] =	stream.indirect.gather @!p1 [hbm4b:s3+s12], $0x40, s2, s12, $0xb8;
	[tilespmem:$0xE400] =	vst v63  }
0x4e: {  	s0 =	simm.s32 @!p1 $0x8400;
	_ =	swait.ge @!p1 [sflag:s1], $0x2000  }
0x4f: {  	s2 =	sadd.s32 @!p1 $0x10000, s25;
	s31 =	simm.s32 @!p1 $0x40;
	[sflag:s1] =	ssyncset.done @!p1 $0x0  }
0x50: {  	[sflag:s1] =	ssyncadd.s32 @!p1 $0xFFFFE000;
	s1 =	simm.s32 @!p1 $0x6  }
0x51: {  	[hbm4b:s2+s31] =	stream.strided.scatter @!p1 [tilespmem:s0], [sflag:$0x6], $0x2000, s12, s31, $0x38;
	[tilespmem:$0xE400] =	vst v63  }
0x52: {  	_ =	swait.ge @!p1 [sflag:s1], $0x2000  }
0x53: {  	[sflag:s1] =	ssyncset.done @!p1 $0x0  }
0x54: {  	[sflag:s1] =	ssyncadd.s32 @!p1 $0xFFFFE000  }
0x55: {  	[tilespmem:s0], [sflag:$0x2] =	stream.indirect.gather @!p1 [hbm4b:s3+s12], $0x40, s11, s12, $0xb8;
	[tilespmem:$0xE400] =	vst v63  }
0x56: {  	_ =	swait.ge [sflag:s17], $0x2000  }
0x57: {  	s0 =	sadd.s32 $0x20000, s25;
	s25 =	smov.u32 s30;
	[sflag:s17] =	ssyncset.done $0x0  }
0x58: {  	s1 =	simm.s32 @!p1 $0x7;
	[sflag:s17] =	ssyncadd.s32 $0xFFFFE000  }
0x59: {  	[hbm4b:s0+s16] =	stream.strided.scatter [tilespmem:s13], [sflag:$0x7], $0x2000, s7, s16, $0x38;
	[tilespmem:$0xE400] =	vst v63  }
.Ltmp0:
0x5a: {  	_ =	swait.ge @!p1 [sflag:s1], $0x2000;
	(pc) =	sbr.rel @p0 .LBB2_2-.Ltmp0, $4  }
0x5b: {  	s0 =	simm.s32 @!p1 $0xA400;
	[sflag:s1] =	ssyncset.done @!p1 $0x0  }
0x5c: {  	[sflag:s1] =	ssyncadd.s32 @!p1 $0xFFFFE000  }
0x5d: {  	[tilespmem:s0], [sflag:$0x3] =	stream.indirect.gather @!p1 [hbm4b:s3+s12], $0x40, s8, s12, $0xb8;
	[tilespmem:$0xE400] =	vst v63  }
0x5e: {  	s30 =	sadd.s32 $0x40000, s30;
	p1 =	seq.s32 s26, $0x0;
	_ =	swait.ge [sflag:s18], $0x2000  }
0x5f: {  	[sflag:s18] =	ssyncset.done $0x0  }
0x60: {  	s0 =	simm.s32 @!p1 $0x8;
	[sflag:s18] =	ssyncadd.s32 $0xFFFFE000  }
0x61: {  	[hbm4b:s28+s16] =	stream.strided.scatter [tilespmem:s14], [sflag:$0x8], $0x2000, s7, s16, $0x38;
	[tilespmem:$0xE400] =	vst v63  }
0x62: {  	_ =	swait.ge @!p1 [sflag:s0], $0x2000  }
0x63: {  	s1 =	sshra.s32 s26, $0x2;
	[sflag:s0] =	ssyncset.done @!p1 $0x0  }
0x64: {  	s1 =	sadd.s32 $0x180, s1;
	[sflag:s0] =	ssyncadd.s32 @!p1 $0xFFFFE000  }
0x65: {  	[tilespmem:s14], [sflag:$0x4] =	stream.indirect.gather [hbm4b:s3+s7], $0x40, s1, s7, $0xb8;
	[tilespmem:$0xE400] =	vst v63  }
0x66: {  	_ =	swait.ge [sflag:s15], $0x2000  }
0x67: {  	p0 =	seq.s32 s26, $0x18800;
	[sflag:s15] =	ssyncset.done $0x0  }
0x68: {  	s0 =	simm.s32 @p0 $0x2;
	[sflag:s15] =	ssyncadd.s32 $0xFFFFE000  }
0x69: {  	[hbm4b:s25+s16] =	stream.strided.scatter [tilespmem:s10], [sflag:$0x5], $0x2000, s7, s16, $0x38;
	[tilespmem:$0xE400] =	vst v63  }
0x6a: {  	s2 =	simm.s32 @p0 $0x8400;
	_ =	swait.ge @p0 [sflag:s0], $0x2000  }
0x6b: {  	s8 =	sadd.s32 @p0 $0x10000, s25;
	s11 =	simm.s32 @p0 $0x40;
	[sflag:s0] =	ssyncset.done @p0 $0x0  }
0x6c: {  	s1 =	simm.s32 @p0 $0x80;
	[sflag:s0] =	ssyncadd.s32 @p0 $0xFFFFE000;
	s0 =	simm.s32 @!p0 $0x5  }
0x6d: {  	[hbm4b:s8+s11] =	stream.strided.scatter @p0 [tilespmem:s2], [sflag:$0x6], $0x2000, s1, s11, $0x38;
	[tilespmem:$0xE400] =	vst v63  }
0x6e: {  	s1 =	sshra.s32 @!p0 s26, $0x2;
	_ =	swait.ge @!p0 [sflag:s0], $0x2000  }
0x6f: {  	s8 =	simm.s32 @!p0 $0x80;
	s11 =	simm.s32 @!p0 $0x6400;
	[sflag:s0] =	ssyncset.done @!p0 $0x0  }
0x70: {  	s2 =	sadd.s32 @!p0 $0x200, s1;
	[sflag:s0] =	ssyncadd.s32 @!p0 $0xFFFFE000;
	s0 =	simm.s32 @!p0 $0x2  }
0x71: {  	[tilespmem:s11], [sflag:$0x1] =	stream.indirect.gather @!p0 [hbm4b:s3+s8], $0x40, s2, s8, $0xb8;
	[tilespmem:$0xE400] =	vst v63  }
0x72: {  	_ =	swait.ge @!p0 [sflag:s0], $0x2000  }
0x73: {  	s12 =	simm.s32 @!p0 $0x40;
	s2 =	simm.s32 @!p0 $0x8400;
	[sflag:s0] =	ssyncset.done @!p0 $0x0  }
0x74: {  	s11 =	sadd.s32 @!p0 $0x10000, s25;
	[sflag:s0] =	ssyncadd.s32 @!p0 $0xFFFFE000;
	s0 =	simm.s32 @!p0 $0x6  }
0x75: {  	[hbm4b:s11+s12] =	stream.strided.scatter @!p0 [tilespmem:s2], [sflag:$0x6], $0x2000, s8, s12, $0x38;
	[tilespmem:$0xE400] =	vst v63  }
0x76: {  	_ =	swait.ge @!p0 [sflag:s0], $0x2000  }
0x77: {  	[sflag:s0] =	ssyncset.done @!p0 $0x0  }
0x78: {  	s11 =	sadd.s32 @!p0 $0x280, s1;
	[sflag:s0] =	ssyncadd.s32 @!p0 $0xFFFFE000  }
0x79: {  	[tilespmem:s2], [sflag:$0x2] =	stream.indirect.gather @!p0 [hbm4b:s3+s8], $0x40, s11, s8, $0xb8;
	[tilespmem:$0xE400] =	vst v63  }
0x7a: {  	_ =	swait.ge [sflag:s17], $0x2000  }
0x7b: {  	[sflag:s17] =	ssyncset.done $0x0  }
0x7c: {  	s31 =	sadd.s32 $0x20000, s25;
	s2 =	simm.s32 @!p0 $0x7;
	[sflag:s17] =	ssyncadd.s32 $0xFFFFE000  }
0x7d: {  	[hbm4b:s31+s16] =	stream.strided.scatter [tilespmem:s13], [sflag:$0x7], $0x2000, s7, s16, $0x38;
	[tilespmem:$0xE400] =	vst v63  }
0x7e: {  	_ =	swait.ge @!p0 [sflag:s2], $0x2000  }
0x7f: {  	[sflag:s2] =	ssyncset.done @!p0 $0x0  }
0x80: {  	s0 =	sadd.s32 @!p0 $0x300, s1;
	s1 =	simm.s32 @!p0 $0xA400;
	[sflag:s2] =	ssyncadd.s32 @!p0 $0xFFFFE000  }
0x81: {  	[tilespmem:s1], [sflag:$0x3] =	stream.indirect.gather @!p0 [hbm4b:s3+s8], $0x40, s0, s8, $0xb8;
	[tilespmem:$0xE400] =	vst v63  }
0x82: {  	_ =	swait.ge [sflag:s18], $0x2000  }
0x83: {  	[sflag:s18] =	ssyncset.done $0x0  }
0x84: {  	[sflag:s18] =	ssyncadd.s32 $0xFFFFE000  }
0x85: {  	[hbm4b:s24+s16] =	stream.strided.scatter [tilespmem:s14], [sflag:$0x8], $0x2000, s7, s16, $0x38;
	[tilespmem:$0xE400] =	vst v63  }
0x86: {  	_ =	swait.ge [sflag:s19], $0x2000  }
0x87: {  	[sflag:s19] =	ssyncset.done $0x0  }
0x88: {  	[sflag:s19] =	ssyncadd.s32 $0xFFFFE000  }
0x89: {  	_ =	swait.ge [sflag:s20], $0x2000  }
0x8a: {  	[sflag:s20] =	ssyncset.done $0x0  }
0x8b: {  	s23 =	sadd.s32 $0x1, s23;
	[sflag:s20] =	ssyncadd.s32 $0xFFFFE000  }
0x8c: {  	p0 =	sne.s32 s23, s5;
	_ =	swait.ge [sflag:s21], $0x2000  }
.Ltmp1:
0x8d: {  	[sflag:s21] =	ssyncset.done $0x0;
	(pc) =	sbr.rel @p0 .LBB2_1-.Ltmp1, $4  }
0x8e: {  	[sflag:s21] =	ssyncadd.s32 $0xFFFFE000  }
0x8f: {  	_ =	swait.ge [sflag:s22], $0x2000  }
0x90: {  	[sflag:s22] =	ssyncset.done $0x0  }
0x91: {  	[sflag:s22] =	ssyncadd.s32 $0xFFFFE000  }
0x92: {  	_ =	sfence.sel $0x180000  }
0x93: {  	[bflag:$0x0] =	sbarrier.arrive $0xFFFF  }
0x94: {  	_ =	strace $0x90000047  }
0x95: {  	s0 =	stileid.u32;
	[bflag:$0x2] =	sbarrier.arrive $0xFFFF  }
0x96: {  	p0 =	sne.s32 s0, $0x0;
	s0 =	rddreg [dreg:$0x2]  }
0x97: {  	s0 =	sadd.s32 @!p0 $0x100000, s0  }
0x98: {  	[sflag:s0] =	ssyncadd.tile.s32 @!p0 $0x1;
	_ =	shalt  }
.Lfunc_end2:
_tile_overlayer_lowered:
.L_overlay_start_2:
0x99: {  	(tag) =	ssettag $0x2  }
0x9a: {  	s0 =	rddreg [dreg:$0x0];
	s2 =	stileid.u32  }
0x9b: {  	s1 =	rddreg [dreg:$0x1];
	p0 =	sne.s32 s2, $0x0  }
0x9c: {  	s3 =	rddreg [dreg:$0x2];
	[bflag:$0x3] =	sbarrier.arrive $0xFFFF;
	s2 =	simm.s32 @!p0 $0x1C09  }
0x9d: {  	[timem:s3], [sflag:s2] =	dma.local @!p0 [hbm:s0], s1  }
0x9e: {  	s0 =	simm.s32 @!p0 $0x9  }
0x9f: {  	_ =	swait.ge @!p0 [sflag:s0], s1  }
0xa0: {  	s1 =	ssub.s32 @!p0 $0x0, s1;
	[sflag:s0] =	ssyncset.done @!p0 $0x0  }
0xa1: {  	[sflag:s0] =	ssyncadd.s32 @!p0 s1  }
0xa2: {  	[bflag:$0x3] =	sbarrier.arrive $0xFFFF  }
0xa3: {  	_ =	shalt  }

// kernel: sparse-core-data-format-call.cloned.1.call-start
scs
called_computation_lowered:
.L_overlay_start_0:
0x0: {  	s2 =	sld [smem:$0x3FD9]  }
0x1: {  	s3 =	sld [smem:$0x3FFE];
	_ =	sdelay $0x1  }
0x2: {  	s1 =	srdreg.scid  }
0x3: {  	s0 =	sand.u32 $0x1, s1  }
0x4: {  	s18 =	sshll.u32 s0, $0xA;
	s2 =	sadd.s32 s3, s2  }
0x5: {  	s2 =	sadd.s32 s2, s18  }
0x6: {  	[smem:$0x3FC6] =	sst s2  }
0x7: {  	_ = 	snop  }
0x8: {  	s2 =	sld [smem:$0x3FD0];
	(tm) =	ssettm $0x1  }
0x9: {  	s19 =	sld [smem:$0x3FFB];
	_ =	sdelay $0x3  }
0xa: {  	_ =	strace s19  }
0xb: {  	s3 =	sld [smem:$0x3FFC];
	_ =	sdelay $0x3  }
0xc: {  	_ =	strace s3  }
0xd: {  	s3 =	sld [smem:$0x3FFD];
	_ =	sdelay $0x3  }
0xe: {  	_ =	strace s3  }
0xf: {  	_ =	strace $0x8FFFFFFF  }
0x10: {  	s20 =	sld [smem:$0x3FDB];
	_ =	sdelay $0x1  }
0x11: {  	s4 =	simm.s32 $_scs_section_size  }
0x12: {  	s5 =	simm.s32 $_size__tile_overlayer_lowered;
	s6 =	simm.s32 $_tile_overlayer_lowered  }
0x13: {  	s23 =	simm.s32 $0x1BFF;
	s22 =	sshll.u32 s6, $0x1;
	s3 =	sadd.s32 s4, s20  }
0x14: {  	s7 =	simm.s32 $0x0;
	s21 =	sshll.u32 s5, $0x1;
	s5 =	sadd.s32 s22, s3  }
0x15: {  	[timem:s7], [sflag:s23] =	dma.local [hbm:s5], s21  }
0x16: {  	_ =	swait.ge [sflag:s23], s21  }
0x17: {  	s4 =	ssub.s32 $0x0, s21;
	[sflag:s23] =	ssyncset.done $0x0  }
0x18: {  	[sflag:s23] =	ssyncadd.s32 s4;
	_ =	sdelay $0x1  }
0x19: {  	s24 =	simm.s32 $0x1B8B  }
0x1a: {  	_ =	swait.ge [sflag:s24], $0x1  }
0x1b: {  	[sflag:s24] =	ssyncset.done $0x0  }
0x1c: {  	s26 =	simm.s32 $0x1B8E;
	s25 =	sld [smem:$0x3FFE];
	[sflag:s24] =	ssyncadd.s32 $0xFFFFFFFF  }
0x1d: {  	s27 =	simm.s32 $execute0_lowered;
	[smem:$0x3FD2] =	sst s26  }
0x1e: {  	s5 =	sshll.u32 s27, $0x1;
	_ =	strace $0x80000049;
	[dreg:$0x1] =	wrdreg $0xFFFFFFFF  }
0x1f: {  	s28 =	simm.s32 $_size_execute0_lowered;
	s3 =	sadd.s32 s3, s5;
	[dreg:$0x0] =	wrdreg $0x0  }
0x20: {  	s5 =	sshll.u32 s28, $0x1;
	[dreg:$0x2] =	wrdreg s3  }
0x21: {  	[dreg:$0x3] =	wrdreg s5  }
0x22: {  	[dreg:$0x4] =	wrdreg $0xC0  }
0x23: {  	_ =	task [dreg:s7], $0x5FFFF  }
0x24: {  	[dreg:$0x1] =	wrdreg $0xFFFFFFFF  }
0x25: {  	[dreg:$0x0] =	wrdreg $0x60  }
0x26: {  	[dreg:$0x2] =	wrdreg s25  }
0x27: {  	[dreg:$0x3] =	wrdreg s2  }
0x28: {  	[dreg:$0x4] =	wrdreg $0x9  }
0x29: {  	_ =	task.clear_ibuf [dreg:s7], $0x5FFFF;
	_ =	strace $0x90000049  }
0x2a: {  	s29 =	simm.s32 $0x9;
	_ =	strace $0x8000004B  }
0x2b: {  	_ =	swait.ge [sflag:s29], $0x1  }
0x2c: {  	[sflag:s29] =	ssyncadd.s32 $0xFFFFFFFF  }
0x2d: {  	_ =	strace $0x9000004B  }
0x2e: {  	_ =	sfence  }
0x2f: {  	s30 =	sld [smem:$0x0];
	_ =	sdelay $0x2  }
0x30: {  	s31 =	sshll.u32 s1, $0xD;
	s1 =	sshrl.u32 s1, $0x2  }
0x31: {  	s3 =	sand.u32 $0x4000, s31;
	s1 =	sadd.s32 s1, s30  }
0x32: {  	s0 =	sor.u32 s3, s0;
	s1 =	sshll.u32 s1, $0x11  }
0x33: {  	s0 =	sor.u32 s1, s0  }
0x34: {  	s0 =	sadd.s32 $0x8F2B, s0  }
0x35: {  	[sflag:s0] =	ssyncadd.remote.s32 $0x1  }
0x36: {  	_ =	sfence.sel $0xFFFF  }
0x37: {  	[dreg:$0x0] =	wrdreg $0xFFFFFFFF;
	(pc) =	sbr.abs _section_cstart, $3  }
0x38: {  	[dreg:$0x1] =	wrdreg $0xFFFFFFFF  }
0x39: {  	_ =	task.clear_ibuf [dreg:s7], $0x2FFFF;
	_ =	strace $0x9FFFFFFF  }
0x3a: {  	(tm) =	ssettm $0x7FFFFFFF  }
0x3b: {  	_ =	shalt  }
tec
execute0_lowered:
.L_overlay_start_1:
0x0: {  	(tag) =	ssettag $0x1  }
0x1: {  	s0 =	srdreg.scid  }
0x2: {  	s1 =	sshll.u32 s0, $0x4  }
0x3: {  	s5 =	rddreg [dreg:$0x0];
	s0 =	stileid.u32;
	s1 =	sand.u32 $0x10, s1  }
0x4: {  	s3 =	rddreg [dreg:$0x1];
	s31 =	simm.s32 $0x2;
	s4 =	sor.u32 s0, s1  }
0x5: {  	s13 =	simm.s32 $0x0;
	s9 =	simm.s32 $0x400;
	s2 =	sshll.u32 s4, $0x7  }
0x6: {  	s10 =	simm.s32 $0x8000;
	s14 =	simm.s32 $0x0;
	s6 =	ssub.s32 $0x1000, s2  }
0x7: {  	s1 =	rddreg [dreg:$0x2];
	_ =	strace $0x8000004A;
	s7 =	sand.u32 $0xF80, s6  }
0x8: {  	s4 =	sshll.u32 s4, $0xB;
	p0 =	sne.s32 s7, $0x0;
	s7 =	simm.s32 $0x1  }
.Ltmp0:
0x9: {  	s6 =	sshrl.u32 s6, $0xC;
	s7 =	simm.s32 @!p0 $0x0;
	(pc) =	sbr.rel .LBB1_1-.Ltmp0, $4  }
0xa: {  	s8 =	sadd.s32 s4, s5;
	s4 =	simm.s32 $0x1;
	s30 =	sadd.s32 s7, s6  }
0xb: {  	s11 =	simm.s32 $0x0;
	[sflag:s4] =	ssyncpa.u1 $0x0;
	s5 =	smul.u32 $0x64, s30  }
0xc: {  	s12 =	simm.s32 $0x0;
	[sflag:s31] =	ssyncpa.u1 $0x0;
	p0 =	por $0x0, $0x0  }
0xd: {  	s6 =	sadd.s32 $0x800, s8;
	s7 =	sadd.s32 $0x10800, s8;
	s8 =	sor.u32 $0x1, s5  }
.LBB1_7:
0xe: {  	s15 =	sadd.s32 $0x2, s11  }
0xf: {  	p2 =	sgt.s32 s15, $0xC7  }
0x10: {  	s15 =	simm.s32 @p2 $0x0;
	p2 =	sne.s32 s12, s8  }
.Ltmp1:
0x11: {  	p1 =	slt.u32 s12, $0x2;
	(pc) =	sbr.rel @!p2 .LBB1_8-.Ltmp1, $4  }
0x12: {  	s13 =	simm.s32 @!p1 $0x2  }
0x13: {  	s16 =	sadd.s32 $0x1, s12;
	s14 =	smov.u32 s11;
	_ =	swait.ge @!p1 [sflag:s13], $0x4000  }
0x14: {  	p0 =	por !p0, !p0;
	s12 =	smov.u32 s16;
	[sflag:s13] =	ssyncset.done @!p1 $0x0  }
0x15: {  	s11 =	smov.u32 s15;
	[sflag:s13] =	ssyncadd.s32 @!p1 $0xFFFFC000;
	s13 =	smov.u32 s2  }
.LBB1_1:
0x16: {  	p1 =	sge.u32 s12, s5  }
0x17: {  	s15 =	sxor.u32 @!p1 $0xFFFFFFFF, s12  }
0x18: {  	s16 =	sshll.u32 @!p1 s11, $0x10;
	s18 =	simm.s32 @!p1 $0x40;
	s15 =	sshll.u32 @!p1 s15, $0xE  }
0x19: {  	s19 =	simm.s32 @!p1 $0x80;
	s17 =	sadd.s32 @!p1 s16, s6;
	s15 =	sand.u32 @!p1 $0x4000, s15  }
0x1a: {  	[tilespmem:s15], [sflag:$0x1] =	stream.strided.gather @!p1 [hbm4b:s17+s18], $0x2000, s19, s18, $0x38;
	[tilespmem:$0x10100] =	vst v63  }
0x1b: {  	s31 =	sadd.s32 $0xFFFFFFFF, s12;
	s16 =	sadd.s32 @!p1 s16, s7;
	s15 =	sor.u32 @!p1 $0x2000, s15  }
0x1c: {  	[tilespmem:s15], [sflag:$0x1] =	stream.strided.gather @!p1 [hbm4b:s16+s18], $0x2000, s19, s18, $0x38;
	[tilespmem:$0x10100] =	vst v63  }
0x1d: {  	p1 =	sge.u32 s31, s5  }
.Ltmp2:
0x1e: {  	_ = 	snop;
	(pc) =	sbr.rel @p1 .LBB1_7-.Ltmp2, $1  }
0x1f: {  	_ =	sdelay $0x3  }
0x20: {  	s15 =	simm.s32 $0x1;
	s17 =	sand.u32 $0x1, s12  }
0x21: {  	_ =	swait.ge [sflag:s4], $0x4000;
	s15 =	simm.s32 @!p0 $0x0;
	s17 =	smul.u32 $0x10200, s17  }
0x22: {  	p2 =	por $0x1, $0x1;
	[sflag:s4] =	ssyncset.done $0x0;
	s16 =	smul.u32 $0x10200, s15  }
0x23: {  	s18 =	sshll.u32 s15, $0x10;
	[sflag:s4] =	ssyncadd.s32 $0xFFFFC000;
	s30 =	sshrl.u32 s17, $0x2  }
0x24: {  	s31 =	sshrl.u32 s18, $0x2;
	s18 =	simm.s32 $0x0;
	s16 =	sshrl.u32 s16, $0x2  }
0x25: {  	s15 =	sor.u32 $0x8000, s30;
	s17 =	sadd.s32 $0x20, s31;
	s16 =	sor.u32 $0x8000, s16  }
.LBB1_3:
0x26: {  	s19 =	sshll.u32 s18, $0xD  }
0x27: {  	s19 =	sand.u32 $0x3FFFE000, s19  }
0x28: {  	s21 =	sadd.s32 s19, s17  }
0x29: {  	s31 =	smul.u32 $0x8100, s18;
	v3 =	vld [tilespmem:s21+$0x10]  }
0x2a: {  	v1 =	vld [tilespmem:s21+$0xFFFFFFF0]  }
0x2b: {  	s18 =	sshra.s32 s31, $0x2;
	v0 =	vld [tilespmem:s21+$0x0]  }
0x2c: {  	s18 =	sadd.s32 s18, s16;
	v2 =	vld [tilespmem:s21+$0xFFFFFFE0]  }
0x2d: {  	s19 =	sadd.s32 $0x0, s18  }
0x2e: {  	p1 =	por p2, p2;
	s20 =	simm.s32 $0x4;
	s21 =	sadd.s32 $0x40, s21;
	[tilespmem:s19+$0x1830 ss:$0x81] =	vst.msk $0xffff, v3  }
.LBB1_4:
0x2f: {  	v3 =	vld [tilespmem:s21+$0x10];
	p2 =	sne.s32 s20, $0x1FC;
	[tilespmem:s19+$0x810 ss:$0x81] =	vst.msk $0xffff, v1;
	s22 =	smov.u32 s20;
	s20 =	sadd.s32 $0x4, s20  }
.Ltmp3:
0x30: {  	v1 =	vld [tilespmem:s21+$0xFFFFFFF0];
	[tilespmem:s19+$0x1020 ss:$0x81] =	vst.msk $0xffff, v0;
	(pc) =	sbr.rel @p2 .LBB1_4-.Ltmp3, $4  }
0x31: {  	v0 =	vld [tilespmem:s21+$0x0];
	[tilespmem:s19+$0x0 ss:$0x81] =	vst.msk $0xffff, v2  }
0x32: {  	s19 =	sshra.s32 s22, $0x2;
	v2 =	vld [tilespmem:s21+$0xFFFFFFE0]  }
0x33: {  	s19 =	sadd.s32 s19, s18  }
0x34: {  	s21 =	sadd.s32 $0x40, s21;
	[tilespmem:s19+$0x1830 ss:$0x81] =	vst.msk $0xffff, v3  }
.Ltmp4:
0x35: {  	(pc) =	sbr.rel @p1 .LBB1_3-.Ltmp4, $4  }
0x36: {  	_ = 	snop  }
0x37: {  	[tilespmem:s19+$0x810 ss:$0x81] =	vst.msk $0xffff, v1  }
0x38: {  	[tilespmem:s19+$0x1020 ss:$0x81] =	vst.msk $0xffff, v0  }
0x39: {  	s18 =	simm.s32 $0x1;
	p2 =	por $0x0, $0x0;
	[tilespmem:s19+$0x0 ss:$0x81] =	vst.msk $0xffff, v2  }
.Ltmp5:
0x3a: {  	(pc) =	sbr.rel .LBB1_7-.Ltmp5, $4  }
0x3b: {  	s14 =	sshll.u32 s14, $0xF  }
0x3c: {  	s14 =	sadd.s32 s3, s14  }
0x3d: {  	s13 =	sadd.s32 s13, s14  }
0x3e: {  	[hbm4b:s13+s9] =	stream.strided.scatter [tilespmem:s15], [sflag:$0x2], $0x4000, s10, s9, $0x20;
	[tilespmem:$0x10100] =	vst v63  }
.LBB1_8:
0x3f: {  	_ =	sfence.sel $0x180000  }
0x40: {  	s2 =	simm.s32 $0x1;
	[bflag:$0x0] =	sbarrier.arrive $0xFFFF  }
0x41: {  	s31 =	simm.s32 $0x2;
	[sflag:s2] =	ssyncpa.u1 $0x1  }
0x42: {  	[sflag:s31] =	ssyncpa.u1 $0x1  }
0x43: {  	p0 =	sne.s32 s0, $0x0;
	_ =	strace $0x9000004A  }
0x44: {  	s0 =	sadd.s32 @!p0 $0x100000, s1;
	[bflag:$0x2] =	sbarrier.arrive $0xFFFF  }
0x45: {  	[sflag:s0] =	ssyncadd.tile.s32 @!p0 $0x1;
	_ =	shalt  }
.Lfunc_end1:
_tile_overlayer_lowered:
.L_overlay_start_2:
0x46: {  	(tag) =	ssettag $0x2  }
0x47: {  	s0 =	rddreg [dreg:$0x0];
	s2 =	stileid.u32  }
0x48: {  	s1 =	rddreg [dreg:$0x1];
	p0 =	sne.s32 s2, $0x0  }
0x49: {  	s3 =	rddreg [dreg:$0x2];
	[bflag:$0x3] =	sbarrier.arrive $0xFFFF;
	s2 =	simm.s32 @!p0 $0x1C01  }
0x4a: {  	[timem:s3], [sflag:s2] =	dma.local @!p0 [hbm:s0], s1  }
0x4b: {  	s0 =	simm.s32 @!p0 $0x1  }
0x4c: {  	_ =	swait.ge @!p0 [sflag:s0], s1  }
0x4d: {  	s1 =	ssub.s32 @!p0 $0x0, s1;
	[sflag:s0] =	ssyncset.done @!p0 $0x0  }
0x4e: {  	[sflag:s0] =	ssyncadd.s32 @!p0 s1  }
0x4f: {  	[bflag:$0x3] =	sbarrier.arrive $0xFFFF  }
0x50: {  	_ =	shalt  }

</sc_bundles>
